<compile_context>
chip_gen: v7x
topology: tpu7x:2x2x1
jax: 0.10.2.dev20260603
libtpu: 0.0.44.dev20260713+nightly
codegen_flags: <defaults>
</compile_context>

<pallas_src>
import functools

import jax
import jax.numpy as jnp
from jax import lax
from jax.experimental import pallas as pl
from jax.experimental.pallas import tpu as pltpu
from jax.experimental.pallas import tpu_sc as plsc

B = 16384
D = 32

_INFO = plsc.get_sparse_core_info()
NC = _INFO.num_cores
NS = _INFO.num_subcores
NW = NC * NS
CHUNK = B // NW
JCH = 128
NJ = CHUNK // JCH


@functools.partial(
    pl.kernel,
    out_type=(
        jax.ShapeDtypeStruct((B, D), jnp.float32),
        jax.ShapeDtypeStruct((B,), jnp.float32),
    ),
    mesh=plsc.VectorSubcoreMesh(core_axis_name="c", subcore_axis_name="s"),
    compiler_params=pltpu.CompilerParams(
        needs_layout_passes=False, use_tc_tiling_on_sc=False),
    scratch_types=[
        pltpu.VMEM((CHUNK,), jnp.int32),
        pltpu.VMEM((CHUNK, D), jnp.float32),
        pltpu.VMEM((CHUNK,), jnp.float32),
        pltpu.SemaphoreType.DMA,
        pltpu.SemaphoreType.DMA,
    ],
)
def _gather_sc(idx_hbm, bias_hbm, vec_hbm, rows_out, b_out,
               idx_v, rows, bias, sem_r, sem_b):
    wid = lax.axis_index("s") * NC + lax.axis_index("c")
    base = pl.multiple_of(wid * CHUNK, CHUNK)

    pltpu.sync_copy(idx_hbm.at[pl.ds(base, CHUNK)], idx_v)

    copies = []
    for j in range(NJ):
        sl = pl.ds(j * JCH, JCH)
        copies.append(
            pltpu.async_copy(vec_hbm.at[idx_v.at[sl]], rows.at[sl], sem_r))
        copies.append(
            pltpu.async_copy(bias_hbm.at[idx_v.at[sl]], bias.at[sl], sem_b))
    for c in copies:
        c.wait()

    pltpu.sync_copy(rows, rows_out.at[pl.ds(base, CHUNK)])
    pltpu.sync_copy(bias, b_out.at[pl.ds(base, CHUNK)])


def _dense_tc(c_ref, vu_ref, vi_ref, bu_ref, bi_ref, f_ref, o_ref):
    c0 = c_ref[0]
    c1 = c_ref[1]
    intx = jnp.sum(vu_ref[...] * vi_ref[...], axis=1)
    o_ref[...] = (intx + bu_ref[...] + bi_ref[...]
                  + c1 * jnp.log(f_ref[...]) + c0)


def kernel(u, i, f, glob_bias, user_bias, user_vec, item_bias, item_vec,
           poly_W, poly_b):
    u = jnp.squeeze(u).astype(jnp.int32)
    i = jnp.squeeze(i).astype(jnp.int32)
    f = jnp.squeeze(f).astype(jnp.float32)

    vu_g, bu_g = _gather_sc(u, user_bias, user_vec)
    vi_g, bi_g = _gather_sc(i, item_bias, item_vec)

    c = jnp.stack([poly_b[0] + glob_bias[0],
                   poly_W[0, 0] + 2.0 * poly_W[0, 1]])

    blk = 2048
    vspec = pl.BlockSpec((blk, D), lambda g: (g, 0))
    sspec = pl.BlockSpec((blk,), lambda g: (g,))
    return pl.pallas_call(
        _dense_tc,
        grid=(B // blk,),
        out_shape=jax.ShapeDtypeStruct((B,), jnp.float32),
        in_specs=[pl.BlockSpec(memory_space=pltpu.SMEM),
                  vspec, vspec, sspec, sspec, sspec],
        out_specs=sspec,
    )(c, vu_g, vi_g, bu_g, bi_g, f)

# --- scband reference (transcript-rebuilt; emitter-appended) ---
"""Pipeline reference for scband-mfpoly2-56994216018098 (READ-ONLY COPY).

The authoritative reference and input builder live on the scoring server;
editing this copy changes nothing except your own understanding.
"""

import jax, jax.numpy as jnp
import numpy as np

N_USERS = 1000000
N_ITEMS = 1000000
N_DIM = 32
BATCH = 16384


def setup_inputs(seed: int = 0) -> dict:
    key = jax.random.key(seed)
    ks = jax.random.split(key, 9)
    u = jax.random.randint(ks[0], (BATCH,), 0, N_USERS, dtype=jnp.int64 if jax.config.jax_enable_x64 else jnp.int32).astype(jnp.int32)
    i = jax.random.randint(ks[1], (BATCH,), 0, N_ITEMS).astype(jnp.int32)
    # f feeds a log(); keep it strictly positive (uniform in (1e-3, 1))
    f = jax.random.uniform(ks[2], (BATCH,), dtype=jnp.float32, minval=1e-3, maxval=1.0)
    glob_bias = jnp.array([0.01], dtype=jnp.float32)
    user_bias = 0.01 * jax.random.normal(ks[3], (N_USERS,), dtype=jnp.float32)
    user_vec = 0.01 * jax.random.normal(ks[4], (N_USERS, N_DIM), dtype=jnp.float32)
    item_bias = 0.01 * jax.random.normal(ks[5], (N_ITEMS,), dtype=jnp.float32)
    item_vec = 0.01 * jax.random.normal(ks[6], (N_ITEMS, N_DIM), dtype=jnp.float32)
    poly_W = 0.5 * jax.random.normal(ks[7], (1, 2), dtype=jnp.float32)
    poly_b = jnp.zeros((1,), dtype=jnp.float32)
    return {
        "u": u,
        "i": i,
        "f": f,
        "glob_bias": glob_bias,
        "user_bias": user_bias,
        "user_vec": user_vec,
        "item_bias": item_bias,
        "item_vec": item_vec,
        "poly_W": poly_W,
        "poly_b": poly_b,
    }


def reference(u, i, f, glob_bias, user_bias, user_vec, item_bias, item_vec, poly_W, poly_b):
    u = jnp.squeeze(u)
    i = jnp.squeeze(i)
    # global bias broadcast to [B]
    bias = glob_bias[0]
    # BiasedEmbedding lookups: bias table gather + vector table gather
    bu = jnp.take(user_bias, u, axis=0)
    vu = jnp.take(user_vec, u, axis=0)
    bi = jnp.take(item_bias, i, axis=0)
    vi = jnp.take(item_vec, i, axis=0)
    # MF interaction term
    intx = jnp.sum(vu * vi, axis=1)
    # degree-2 polynomial in log(f): Linear(2,1) over [log f, log f^2]
    frame = jnp.stack([f, f ** 2.0], axis=0)  # [2, B]
    logf = jnp.transpose(jnp.log(frame))      # [B, 2]
    effect = jnp.squeeze(logf @ poly_W.T + poly_b, axis=-1)  # [B]
    logodds = bias + bi + bu + intx + effect
    return logodds

if __name__ == "__main__":
    import jax
    _d = setup_inputs()
    print(jax.jit(kernel)(*tuple(_d.values())))

</pallas_src>

<mosaic_0001>
#map = affine_map<(d0, d1) -> (0)>
#map1 = affine_map<(d0, d1) -> (0, 0)>
module attributes {stable_mosaic.version = 14 : i64} {
  func.func @_gather_sc(%arg0: i32, %arg1: i32, %arg2: memref<16384xi32, #tpu.memory_space<hbm>>, %arg3: memref<1000000xf32, #tpu.memory_space<hbm>>, %arg4: memref<1000000x32xf32, #tpu.memory_space<hbm>>, %arg5: memref<16384x32xf32, #tpu.memory_space<hbm>>, %arg6: memref<16384xf32, #tpu.memory_space<hbm>>, %arg7: memref<512xi32, #tpu.memory_space<vmem>>, %arg8: memref<512x32xf32, #tpu.memory_space<vmem>>, %arg9: memref<512xf32, #tpu.memory_space<vmem>>, %arg10: memref<!tpu.dma_semaphore, #tpu.memory_space<semaphore_mem>>, %arg11: memref<!tpu.dma_semaphore, #tpu.memory_space<semaphore_mem>>) attributes {dimension_semantics = [#tpu.dimension_semantics<core_parallel>, #tpu.dimension_semantics<subcore_parallel>], iteration_bounds = array<i64: 2, 16>, scalar_prefetch = 0 : i64, scratch_operands = 5 : i64, tpu.core_type = #tpu.core_type<sc_vector_subcore>, window_params = [{transform_indices = #map}, {transform_indices = #map}, {transform_indices = #map1}, {transform_indices = #map1}, {transform_indices = #map}]} {
    %mul3A = arith.constant 2 : i32
    %mul3A_0 = arith.muli %arg1, %mul3A : i32
    %add3A = arith.addi %mul3A_0, %arg0 : i32
    %mul3A_1 = arith.constant 512 : i32
    %mul3A_2 = arith.muli %add3A, %mul3A_1 : i32
    %multiple_of3A = tpu.assume_multiple %mul3A_2, 512 : i32
    "tpu.region"() ({
      %run_scoped3A = tpu.sem_alloc : memref<!tpu.dma_semaphore, #tpu.memory_space<semaphore_mem>>
      %dma_start3A_113 = tpu.memref_slice %arg2[%multiple_of3A] : memref<16384xi32, #tpu.memory_space<hbm>> -> memref<512xi32, #tpu.memory_space<hbm>>
      %dma_start3A_114 = tpu.memref_slice %arg2[%multiple_of3A] : memref<16384xi32, #tpu.memory_space<hbm>> -> memref<512xi32, #tpu.memory_space<hbm>>
      tpu.enqueue_dma source(%dma_start3A_114 : memref<512xi32, #tpu.memory_space<hbm>>) target(%arg7 : memref<512xi32, #tpu.memory_space<vmem>>) target_semaphore(%run_scoped3A : memref<!tpu.dma_semaphore, #tpu.memory_space<semaphore_mem>>)
      %dma_wait3A_115 = tpu.memref_slice %arg2[%multiple_of3A] : memref<16384xi32, #tpu.memory_space<hbm>> -> memref<512xi32, #tpu.memory_space<hbm>>
      %dma_wait3A_116 = tpu.memref_slice %arg2[%multiple_of3A] : memref<16384xi32, #tpu.memory_space<hbm>> -> memref<512xi32, #tpu.memory_space<hbm>>
      tpu.wait_dma2 semaphore(%run_scoped3A : memref<!tpu.dma_semaphore, #tpu.memory_space<semaphore_mem>>) src(%dma_wait3A_116 : memref<512xi32, #tpu.memory_space<hbm>>) dst(%arg7 : memref<512xi32, #tpu.memory_space<vmem>>)
      tpu.yield
    }) : () -> ()
    %dma_start3A = arith.constant 0 : i32
    %dma_start3A_3 = arith.constant 0 : i32
    %dma_start3A_4 = tpu.memref_slice %arg8[%dma_start3A, %dma_start3A_3] : memref<512x32xf32, #tpu.memory_space<vmem>> -> memref<128x32xf32, #tpu.memory_space<vmem>>
    %dma_start3A_5 = arith.constant 0 : i32
    %dma_start3A_6 = tpu.memref_slice %arg7[%dma_start3A_5] : memref<512xi32, #tpu.memory_space<vmem>> -> memref<128xi32, #tpu.memory_space<vmem>>
    %dma_start3A_7 = arith.constant 0 : i32
    %dma_start3A_8 = arith.constant 0 : i32
    %dma_start3A_9 = tpu.memref_slice %arg4[%dma_start3A_7, %dma_start3A_8] : memref<1000000x32xf32, #tpu.memory_space<hbm>> -> memref<1000000x32xf32, #tpu.memory_space<hbm>>
    tpu.enqueue_indirect_dma source(%dma_start3A_9 : memref<1000000x32xf32, #tpu.memory_space<hbm>>) target(%dma_start3A_4 : memref<128x32xf32, #tpu.memory_space<vmem>>) offsets(%dma_start3A_6 : memref<128xi32, #tpu.memory_space<vmem>>) semaphore(%arg10 : memref<!tpu.dma_semaphore, #tpu.memory_space<semaphore_mem>>)
    %dma_start3A_10 = arith.constant 0 : i32
    %dma_start3A_11 = tpu.memref_slice %arg9[%dma_start3A_10] : memref<512xf32, #tpu.memory_space<vmem>> -> memref<128xf32, #tpu.memory_space<vmem>>
    %dma_start3A_12 = arith.constant 0 : i32
    %dma_start3A_13 = tpu.memref_slice %arg7[%dma_start3A_12] : memref<512xi32, #tpu.memory_space<vmem>> -> memref<128xi32, #tpu.memory_space<vmem>>
    %dma_start3A_14 = arith.constant 0 : i32
    %dma_start3A_15 = tpu.memref_slice %arg3[%dma_start3A_14] : memref<1000000xf32, #tpu.memory_space<hbm>> -> memref<1000000xf32, #tpu.memory_space<hbm>>
    tpu.enqueue_indirect_dma source(%dma_start3A_15 : memref<1000000xf32, #tpu.memory_space<hbm>>) target(%dma_start3A_11 : memref<128xf32, #tpu.memory_space<vmem>>) offsets(%dma_start3A_13 : memref<128xi32, #tpu.memory_space<vmem>>) semaphore(%arg11 : memref<!tpu.dma_semaphore, #tpu.memory_space<semaphore_mem>>)
    %dma_start3A_16 = arith.constant 128 : i32
    %dma_start3A_17 = arith.constant 0 : i32
    %dma_start3A_18 = tpu.memref_slice %arg8[%dma_start3A_16, %dma_start3A_17] : memref<512x32xf32, #tpu.memory_space<vmem>> -> memref<128x32xf32, #tpu.memory_space<vmem>>
    %dma_start3A_19 = arith.constant 128 : i32
    %dma_start3A_20 = tpu.memref_slice %arg7[%dma_start3A_19] : memref<512xi32, #tpu.memory_space<vmem>> -> memref<128xi32, #tpu.memory_space<vmem>>
    %dma_start3A_21 = arith.constant 0 : i32
    %dma_start3A_22 = arith.constant 0 : i32
    %dma_start3A_23 = tpu.memref_slice %arg4[%dma_start3A_21, %dma_start3A_22] : memref<1000000x32xf32, #tpu.memory_space<hbm>> -> memref<1000000x32xf32, #tpu.memory_space<hbm>>
    tpu.enqueue_indirect_dma source(%dma_start3A_23 : memref<1000000x32xf32, #tpu.memory_space<hbm>>) target(%dma_start3A_18 : memref<128x32xf32, #tpu.memory_space<vmem>>) offsets(%dma_start3A_20 : memref<128xi32, #tpu.memory_space<vmem>>) semaphore(%arg10 : memref<!tpu.dma_semaphore, #tpu.memory_space<semaphore_mem>>)
    %dma_start3A_24 = arith.constant 128 : i32
    %dma_start3A_25 = tpu.memref_slice %arg9[%dma_start3A_24] : memref<512xf32, #tpu.memory_space<vmem>> -> memref<128xf32, #tpu.memory_space<vmem>>
    %dma_start3A_26 = arith.constant 128 : i32
    %dma_start3A_27 = tpu.memref_slice %arg7[%dma_start3A_26] : memref<512xi32, #tpu.memory_space<vmem>> -> memref<128xi32, #tpu.memory_space<vmem>>
    %dma_start3A_28 = arith.constant 0 : i32
    %dma_start3A_29 = tpu.memref_slice %arg3[%dma_start3A_28] : memref<1000000xf32, #tpu.memory_space<hbm>> -> memref<1000000xf32, #tpu.memory_space<hbm>>
    tpu.enqueue_indirect_dma source(%dma_start3A_29 : memref<1000000xf32, #tpu.memory_space<hbm>>) target(%dma_start3A_25 : memref<128xf32, #tpu.memory_space<vmem>>) offsets(%dma_start3A_27 : memref<128xi32, #tpu.memory_space<vmem>>) semaphore(%arg11 : memref<!tpu.dma_semaphore, #tpu.memory_space<semaphore_mem>>)
    %dma_start3A_30 = arith.constant 256 : i32
    %dma_start3A_31 = arith.constant 0 : i32
    %dma_start3A_32 = tpu.memref_slice %arg8[%dma_start3A_30, %dma_start3A_31] : memref<512x32xf32, #tpu.memory_space<vmem>> -> memref<128x32xf32, #tpu.memory_space<vmem>>
    %dma_start3A_33 = arith.constant 256 : i32
    %dma_start3A_34 = tpu.memref_slice %arg7[%dma_start3A_33] : memref<512xi32, #tpu.memory_space<vmem>> -> memref<128xi32, #tpu.memory_space<vmem>>
    %dma_start3A_35 = arith.constant 0 : i32
    %dma_start3A_36 = arith.constant 0 : i32
    %dma_start3A_37 = tpu.memref_slice %arg4[%dma_start3A_35, %dma_start3A_36] : memref<1000000x32xf32, #tpu.memory_space<hbm>> -> memref<1000000x32xf32, #tpu.memory_space<hbm>>
    tpu.enqueue_indirect_dma source(%dma_start3A_37 : memref<1000000x32xf32, #tpu.memory_space<hbm>>) target(%dma_start3A_32 : memref<128x32xf32, #tpu.memory_space<vmem>>) offsets(%dma_start3A_34 : memref<128xi32, #tpu.memory_space<vmem>>) semaphore(%arg10 : memref<!tpu.dma_semaphore, #tpu.memory_space<semaphore_mem>>)
    %dma_start3A_38 = arith.constant 256 : i32
    %dma_start3A_39 = tpu.memref_slice %arg9[%dma_start3A_38] : memref<512xf32, #tpu.memory_space<vmem>> -> memref<128xf32, #tpu.memory_space<vmem>>
    %dma_start3A_40 = arith.constant 256 : i32
    %dma_start3A_41 = tpu.memref_slice %arg7[%dma_start3A_40] : memref<512xi32, #tpu.memory_space<vmem>> -> memref<128xi32, #tpu.memory_space<vmem>>
    %dma_start3A_42 = arith.constant 0 : i32
    %dma_start3A_43 = tpu.memref_slice %arg3[%dma_start3A_42] : memref<1000000xf32, #tpu.memory_space<hbm>> -> memref<1000000xf32, #tpu.memory_space<hbm>>
    tpu.enqueue_indirect_dma source(%dma_start3A_43 : memref<1000000xf32, #tpu.memory_space<hbm>>) target(%dma_start3A_39 : memref<128xf32, #tpu.memory_space<vmem>>) offsets(%dma_start3A_41 : memref<128xi32, #tpu.memory_space<vmem>>) semaphore(%arg11 : memref<!tpu.dma_semaphore, #tpu.memory_space<semaphore_mem>>)
    %dma_start3A_44 = arith.constant 384 : i32
    %dma_start3A_45 = arith.constant 0 : i32
    %dma_start3A_46 = tpu.memref_slice %arg8[%dma_start3A_44, %dma_start3A_45] : memref<512x32xf32, #tpu.memory_space<vmem>> -> memref<128x32xf32, #tpu.memory_space<vmem>>
    %dma_start3A_47 = arith.constant 384 : i32
    %dma_start3A_48 = tpu.memref_slice %arg7[%dma_start3A_47] : memref<512xi32, #tpu.memory_space<vmem>> -> memref<128xi32, #tpu.memory_space<vmem>>
    %dma_start3A_49 = arith.constant 0 : i32
    %dma_start3A_50 = arith.constant 0 : i32
    %dma_start3A_51 = tpu.memref_slice %arg4[%dma_start3A_49, %dma_start3A_50] : memref<1000000x32xf32, #tpu.memory_space<hbm>> -> memref<1000000x32xf32, #tpu.memory_space<hbm>>
    tpu.enqueue_indirect_dma source(%dma_start3A_51 : memref<1000000x32xf32, #tpu.memory_space<hbm>>) target(%dma_start3A_46 : memref<128x32xf32, #tpu.memory_space<vmem>>) offsets(%dma_start3A_48 : memref<128xi32, #tpu.memory_space<vmem>>) semaphore(%arg10 : memref<!tpu.dma_semaphore, #tpu.memory_space<semaphore_mem>>)
    %dma_start3A_52 = arith.constant 384 : i32
    %dma_start3A_53 = tpu.memref_slice %arg9[%dma_start3A_52] : memref<512xf32, #tpu.memory_space<vmem>> -> memref<128xf32, #tpu.memory_space<vmem>>
    %dma_start3A_54 = arith.constant 384 : i32
    %dma_start3A_55 = tpu.memref_slice %arg7[%dma_start3A_54] : memref<512xi32, #tpu.memory_space<vmem>> -> memref<128xi32, #tpu.memory_space<vmem>>
    %dma_start3A_56 = arith.constant 0 : i32
    %dma_start3A_57 = tpu.memref_slice %arg3[%dma_start3A_56] : memref<1000000xf32, #tpu.memory_space<hbm>> -> memref<1000000xf32, #tpu.memory_space<hbm>>
    tpu.enqueue_indirect_dma source(%dma_start3A_57 : memref<1000000xf32, #tpu.memory_space<hbm>>) target(%dma_start3A_53 : memref<128xf32, #tpu.memory_space<vmem>>) offsets(%dma_start3A_55 : memref<128xi32, #tpu.memory_space<vmem>>) semaphore(%arg11 : memref<!tpu.dma_semaphore, #tpu.memory_space<semaphore_mem>>)
    %dma_wait3A = arith.constant 0 : i32
    %dma_wait3A_58 = arith.constant 0 : i32
    %dma_wait3A_59 = tpu.memref_slice %arg8[%dma_wait3A, %dma_wait3A_58] : memref<512x32xf32, #tpu.memory_space<vmem>> -> memref<128x32xf32, #tpu.memory_space<vmem>>
    %dma_wait3A_60 = arith.constant 0 : i32
    %dma_wait3A_61 = tpu.memref_slice %arg7[%dma_wait3A_60] : memref<512xi32, #tpu.memory_space<vmem>> -> memref<128xi32, #tpu.memory_space<vmem>>
    %dma_wait3A_62 = arith.constant 0 : i32
    %dma_wait3A_63 = arith.constant 0 : i32
    %dma_wait3A_64 = tpu.memref_slice %arg4[%dma_wait3A_62, %dma_wait3A_63] : memref<1000000x32xf32, #tpu.memory_space<hbm>> -> memref<1000000x32xf32, #tpu.memory_space<hbm>>
    tpu.wait_indirect_dma semaphore(%arg10 : memref<!tpu.dma_semaphore, #tpu.memory_space<semaphore_mem>>) src(%dma_wait3A_64 : memref<1000000x32xf32, #tpu.memory_space<hbm>>) dst(%dma_wait3A_59 : memref<128x32xf32, #tpu.memory_space<vmem>>)
    %dma_wait3A_65 = arith.constant 0 : i32
    %dma_wait3A_66 = tpu.memref_slice %arg9[%dma_wait3A_65] : memref<512xf32, #tpu.memory_space<vmem>> -> memref<128xf32, #tpu.memory_space<vmem>>
    %dma_wait3A_67 = arith.constant 0 : i32
    %dma_wait3A_68 = tpu.memref_slice %arg7[%dma_wait3A_67] : memref<512xi32, #tpu.memory_space<vmem>> -> memref<128xi32, #tpu.memory_space<vmem>>
    %dma_wait3A_69 = arith.constant 0 : i32
    %dma_wait3A_70 = tpu.memref_slice %arg3[%dma_wait3A_69] : memref<1000000xf32, #tpu.memory_space<hbm>> -> memref<1000000xf32, #tpu.memory_space<hbm>>
    tpu.wait_indirect_dma semaphore(%arg11 : memref<!tpu.dma_semaphore, #tpu.memory_space<semaphore_mem>>) src(%dma_wait3A_70 : memref<1000000xf32, #tpu.memory_space<hbm>>) dst(%dma_wait3A_66 : memref<128xf32, #tpu.memory_space<vmem>>)
    %dma_wait3A_71 = arith.constant 128 : i32
    %dma_wait3A_72 = arith.constant 0 : i32
    %dma_wait3A_73 = tpu.memref_slice %arg8[%dma_wait3A_71, %dma_wait3A_72] : memref<512x32xf32, #tpu.memory_space<vmem>> -> memref<128x32xf32, #tpu.memory_space<vmem>>
    %dma_wait3A_74 = arith.constant 128 : i32
    %dma_wait3A_75 = tpu.memref_slice %arg7[%dma_wait3A_74] : memref<512xi32, #tpu.memory_space<vmem>> -> memref<128xi32, #tpu.memory_space<vmem>>
    %dma_wait3A_76 = arith.constant 0 : i32
    %dma_wait3A_77 = arith.constant 0 : i32
    %dma_wait3A_78 = tpu.memref_slice %arg4[%dma_wait3A_76, %dma_wait3A_77] : memref<1000000x32xf32, #tpu.memory_space<hbm>> -> memref<1000000x32xf32, #tpu.memory_space<hbm>>
    tpu.wait_indirect_dma semaphore(%arg10 : memref<!tpu.dma_semaphore, #tpu.memory_space<semaphore_mem>>) src(%dma_wait3A_78 : memref<1000000x32xf32, #tpu.memory_space<hbm>>) dst(%dma_wait3A_73 : memref<128x32xf32, #tpu.memory_space<vmem>>)
    %dma_wait3A_79 = arith.constant 128 : i32
    %dma_wait3A_80 = tpu.memref_slice %arg9[%dma_wait3A_79] : memref<512xf32, #tpu.memory_space<vmem>> -> memref<128xf32, #tpu.memory_space<vmem>>
    %dma_wait3A_81 = arith.constant 128 : i32
    %dma_wait3A_82 = tpu.memref_slice %arg7[%dma_wait3A_81] : memref<512xi32, #tpu.memory_space<vmem>> -> memref<128xi32, #tpu.memory_space<vmem>>
    %dma_wait3A_83 = arith.constant 0 : i32
    %dma_wait3A_84 = tpu.memref_slice %arg3[%dma_wait3A_83] : memref<1000000xf32, #tpu.memory_space<hbm>> -> memref<1000000xf32, #tpu.memory_space<hbm>>
    tpu.wait_indirect_dma semaphore(%arg11 : memref<!tpu.dma_semaphore, #tpu.memory_space<semaphore_mem>>) src(%dma_wait3A_84 : memref<1000000xf32, #tpu.memory_space<hbm>>) dst(%dma_wait3A_80 : memref<128xf32, #tpu.memory_space<vmem>>)
    %dma_wait3A_85 = arith.constant 256 : i32
    %dma_wait3A_86 = arith.constant 0 : i32
    %dma_wait3A_87 = tpu.memref_slice %arg8[%dma_wait3A_85, %dma_wait3A_86] : memref<512x32xf32, #tpu.memory_space<vmem>> -> memref<128x32xf32, #tpu.memory_space<vmem>>
    %dma_wait3A_88 = arith.constant 256 : i32
    %dma_wait3A_89 = tpu.memref_slice %arg7[%dma_wait3A_88] : memref<512xi32, #tpu.memory_space<vmem>> -> memref<128xi32, #tpu.memory_space<vmem>>
    %dma_wait3A_90 = arith.constant 0 : i32
    %dma_wait3A_91 = arith.constant 0 : i32
    %dma_wait3A_92 = tpu.memref_slice %arg4[%dma_wait3A_90, %dma_wait3A_91] : memref<1000000x32xf32, #tpu.memory_space<hbm>> -> memref<1000000x32xf32, #tpu.memory_space<hbm>>
    tpu.wait_indirect_dma semaphore(%arg10 : memref<!tpu.dma_semaphore, #tpu.memory_space<semaphore_mem>>) src(%dma_wait3A_92 : memref<1000000x32xf32, #tpu.memory_space<hbm>>) dst(%dma_wait3A_87 : memref<128x32xf32, #tpu.memory_space<vmem>>)
    %dma_wait3A_93 = arith.constant 256 : i32
    %dma_wait3A_94 = tpu.memref_slice %arg9[%dma_wait3A_93] : memref<512xf32, #tpu.memory_space<vmem>> -> memref<128xf32, #tpu.memory_space<vmem>>
    %dma_wait3A_95 = arith.constant 256 : i32
    %dma_wait3A_96 = tpu.memref_slice %arg7[%dma_wait3A_95] : memref<512xi32, #tpu.memory_space<vmem>> -> memref<128xi32, #tpu.memory_space<vmem>>
    %dma_wait3A_97 = arith.constant 0 : i32
    %dma_wait3A_98 = tpu.memref_slice %arg3[%dma_wait3A_97] : memref<1000000xf32, #tpu.memory_space<hbm>> -> memref<1000000xf32, #tpu.memory_space<hbm>>
    tpu.wait_indirect_dma semaphore(%arg11 : memref<!tpu.dma_semaphore, #tpu.memory_space<semaphore_mem>>) src(%dma_wait3A_98 : memref<1000000xf32, #tpu.memory_space<hbm>>) dst(%dma_wait3A_94 : memref<128xf32, #tpu.memory_space<vmem>>)
    %dma_wait3A_99 = arith.constant 384 : i32
    %dma_wait3A_100 = arith.constant 0 : i32
    %dma_wait3A_101 = tpu.memref_slice %arg8[%dma_wait3A_99, %dma_wait3A_100] : memref<512x32xf32, #tpu.memory_space<vmem>> -> memref<128x32xf32, #tpu.memory_space<vmem>>
    %dma_wait3A_102 = arith.constant 384 : i32
    %dma_wait3A_103 = tpu.memref_slice %arg7[%dma_wait3A_102] : memref<512xi32, #tpu.memory_space<vmem>> -> memref<128xi32, #tpu.memory_space<vmem>>
    %dma_wait3A_104 = arith.constant 0 : i32
    %dma_wait3A_105 = arith.constant 0 : i32
    %dma_wait3A_106 = tpu.memref_slice %arg4[%dma_wait3A_104, %dma_wait3A_105] : memref<1000000x32xf32, #tpu.memory_space<hbm>> -> memref<1000000x32xf32, #tpu.memory_space<hbm>>
    tpu.wait_indirect_dma semaphore(%arg10 : memref<!tpu.dma_semaphore, #tpu.memory_space<semaphore_mem>>) src(%dma_wait3A_106 : memref<1000000x32xf32, #tpu.memory_space<hbm>>) dst(%dma_wait3A_101 : memref<128x32xf32, #tpu.memory_space<vmem>>)
    %dma_wait3A_107 = arith.constant 384 : i32
    %dma_wait3A_108 = tpu.memref_slice %arg9[%dma_wait3A_107] : memref<512xf32, #tpu.memory_space<vmem>> -> memref<128xf32, #tpu.memory_space<vmem>>
    %dma_wait3A_109 = arith.constant 384 : i32
    %dma_wait3A_110 = tpu.memref_slice %arg7[%dma_wait3A_109] : memref<512xi32, #tpu.memory_space<vmem>> -> memref<128xi32, #tpu.memory_space<vmem>>
    %dma_wait3A_111 = arith.constant 0 : i32
    %dma_wait3A_112 = tpu.memref_slice %arg3[%dma_wait3A_111] : memref<1000000xf32, #tpu.memory_space<hbm>> -> memref<1000000xf32, #tpu.memory_space<hbm>>
    tpu.wait_indirect_dma semaphore(%arg11 : memref<!tpu.dma_semaphore, #tpu.memory_space<semaphore_mem>>) src(%dma_wait3A_112 : memref<1000000xf32, #tpu.memory_space<hbm>>) dst(%dma_wait3A_108 : memref<128xf32, #tpu.memory_space<vmem>>)
    "tpu.region"() ({
      %run_scoped3A = tpu.sem_alloc : memref<!tpu.dma_semaphore, #tpu.memory_space<semaphore_mem>>
      %dma_start3A_113 = arith.constant 0 : i32
      %dma_start3A_114 = tpu.memref_slice %arg5[%multiple_of3A, %dma_start3A_113] : memref<16384x32xf32, #tpu.memory_space<hbm>> -> memref<512x32xf32, #tpu.memory_space<hbm>>
      %dma_start3A_115 = arith.constant 0 : i32
      %dma_start3A_116 = tpu.memref_slice %arg5[%multiple_of3A, %dma_start3A_115] : memref<16384x32xf32, #tpu.memory_space<hbm>> -> memref<512x32xf32, #tpu.memory_space<hbm>>
      tpu.enqueue_dma source(%arg8 : memref<512x32xf32, #tpu.memory_space<vmem>>) target(%dma_start3A_116 : memref<512x32xf32, #tpu.memory_space<hbm>>) target_semaphore(%run_scoped3A : memref<!tpu.dma_semaphore, #tpu.memory_space<semaphore_mem>>)
      %dma_wait3A_117 = arith.constant 0 : i32
      %dma_wait3A_118 = tpu.memref_slice %arg5[%multiple_of3A, %dma_wait3A_117] : memref<16384x32xf32, #tpu.memory_space<hbm>> -> memref<512x32xf32, #tpu.memory_space<hbm>>
      %dma_wait3A_119 = arith.constant 0 : i32
      %dma_wait3A_120 = tpu.memref_slice %arg5[%multiple_of3A, %dma_wait3A_119] : memref<16384x32xf32, #tpu.memory_space<hbm>> -> memref<512x32xf32, #tpu.memory_space<hbm>>
      tpu.wait_dma2 semaphore(%run_scoped3A : memref<!tpu.dma_semaphore, #tpu.memory_space<semaphore_mem>>) src(%arg8 : memref<512x32xf32, #tpu.memory_space<vmem>>) dst(%dma_wait3A_120 : memref<512x32xf32, #tpu.memory_space<hbm>>)
      tpu.yield
    }) : () -> ()
    "tpu.region"() ({
      %run_scoped3A = tpu.sem_alloc : memref<!tpu.dma_semaphore, #tpu.memory_space<semaphore_mem>>
      %dma_start3A_113 = tpu.memref_slice %arg6[%multiple_of3A] : memref<16384xf32, #tpu.memory_space<hbm>> -> memref<512xf32, #tpu.memory_space<hbm>>
      %dma_start3A_114 = tpu.memref_slice %arg6[%multiple_of3A] : memref<16384xf32, #tpu.memory_space<hbm>> -> memref<512xf32, #tpu.memory_space<hbm>>
      tpu.enqueue_dma source(%arg9 : memref<512xf32, #tpu.memory_space<vmem>>) target(%dma_start3A_114 : memref<512xf32, #tpu.memory_space<hbm>>) target_semaphore(%run_scoped3A : memref<!tpu.dma_semaphore, #tpu.memory_space<semaphore_mem>>)
      %dma_wait3A_115 = tpu.memref_slice %arg6[%multiple_of3A] : memref<16384xf32, #tpu.memory_space<hbm>> -> memref<512xf32, #tpu.memory_space<hbm>>
      %dma_wait3A_116 = tpu.memref_slice %arg6[%multiple_of3A] : memref<16384xf32, #tpu.memory_space<hbm>> -> memref<512xf32, #tpu.memory_space<hbm>>
      tpu.wait_dma2 semaphore(%run_scoped3A : memref<!tpu.dma_semaphore, #tpu.memory_space<semaphore_mem>>) src(%arg9 : memref<512xf32, #tpu.memory_space<vmem>>) dst(%dma_wait3A_116 : memref<512xf32, #tpu.memory_space<hbm>>)
      tpu.yield
    }) : () -> ()
    return
  }
}

#map = affine_map<(d0, d1) -> (0)>
#map1 = affine_map<(d0, d1) -> (0, 0)>
module attributes {stable_mosaic.version = 14 : i64} {
  func.func @_gather_sc(%arg0: i32, %arg1: i32, %arg2: memref<16384xi32, #tpu.memory_space<hbm>>, %arg3: memref<1000000xf32, #tpu.memory_space<hbm>>, %arg4: memref<1000000x32xf32, #tpu.memory_space<hbm>>, %arg5: memref<16384x32xf32, #tpu.memory_space<hbm>>, %arg6: memref<16384xf32, #tpu.memory_space<hbm>>, %arg7: memref<512xi32, #tpu.memory_space<vmem>>, %arg8: memref<512x32xf32, #tpu.memory_space<vmem>>, %arg9: memref<512xf32, #tpu.memory_space<vmem>>, %arg10: memref<!tpu.dma_semaphore, #tpu.memory_space<semaphore_mem>>, %arg11: memref<!tpu.dma_semaphore, #tpu.memory_space<semaphore_mem>>) attributes {dimension_semantics = [#tpu.dimension_semantics<core_parallel>, #tpu.dimension_semantics<subcore_parallel>], iteration_bounds = array<i64: 2, 16>, scalar_prefetch = 0 : i64, scratch_operands = 5 : i64, tpu.core_type = #tpu.core_type<sc_vector_subcore>, window_params = [{transform_indices = #map}, {transform_indices = #map}, {transform_indices = #map1}, {transform_indices = #map1}, {transform_indices = #map}]} {
    %mul3A = arith.constant 2 : i32
    %mul3A_0 = arith.muli %arg1, %mul3A : i32
    %add3A = arith.addi %mul3A_0, %arg0 : i32
    %mul3A_1 = arith.constant 512 : i32
    %mul3A_2 = arith.muli %add3A, %mul3A_1 : i32
    %multiple_of3A = tpu.assume_multiple %mul3A_2, 512 : i32
    "tpu.region"() ({
      %run_scoped3A = tpu.sem_alloc : memref<!tpu.dma_semaphore, #tpu.memory_space<semaphore_mem>>
      %dma_start3A_113 = tpu.memref_slice %arg2[%multiple_of3A] : memref<16384xi32, #tpu.memory_space<hbm>> -> memref<512xi32, #tpu.memory_space<hbm>>
      %dma_start3A_114 = tpu.memref_slice %arg2[%multiple_of3A] : memref<16384xi32, #tpu.memory_space<hbm>> -> memref<512xi32, #tpu.memory_space<hbm>>
      tpu.enqueue_dma source(%dma_start3A_114 : memref<512xi32, #tpu.memory_space<hbm>>) target(%arg7 : memref<512xi32, #tpu.memory_space<vmem>>) target_semaphore(%run_scoped3A : memref<!tpu.dma_semaphore, #tpu.memory_space<semaphore_mem>>)
      %dma_wait3A_115 = tpu.memref_slice %arg2[%multiple_of3A] : memref<16384xi32, #tpu.memory_space<hbm>> -> memref<512xi32, #tpu.memory_space<hbm>>
      %dma_wait3A_116 = tpu.memref_slice %arg2[%multiple_of3A] : memref<16384xi32, #tpu.memory_space<hbm>> -> memref<512xi32, #tpu.memory_space<hbm>>
      tpu.wait_dma2 semaphore(%run_scoped3A : memref<!tpu.dma_semaphore, #tpu.memory_space<semaphore_mem>>) src(%dma_wait3A_116 : memref<512xi32, #tpu.memory_space<hbm>>) dst(%arg7 : memref<512xi32, #tpu.memory_space<vmem>>)
      tpu.yield
    }) : () -> ()
    %dma_start3A = arith.constant 0 : i32
    %dma_start3A_3 = arith.constant 0 : i32
    %dma_start3A_4 = tpu.memref_slice %arg8[%dma_start3A, %dma_start3A_3] : memref<512x32xf32, #tpu.memory_space<vmem>> -> memref<128x32xf32, #tpu.memory_space<vmem>>
    %dma_start3A_5 = arith.constant 0 : i32
    %dma_start3A_6 = tpu.memref_slice %arg7[%dma_start3A_5] : memref<512xi32, #tpu.memory_space<vmem>> -> memref<128xi32, #tpu.memory_space<vmem>>
    %dma_start3A_7 = arith.constant 0 : i32
    %dma_start3A_8 = arith.constant 0 : i32
    %dma_start3A_9 = tpu.memref_slice %arg4[%dma_start3A_7, %dma_start3A_8] : memref<1000000x32xf32, #tpu.memory_space<hbm>> -> memref<1000000x32xf32, #tpu.memory_space<hbm>>
    tpu.enqueue_indirect_dma source(%dma_start3A_9 : memref<1000000x32xf32, #tpu.memory_space<hbm>>) target(%dma_start3A_4 : memref<128x32xf32, #tpu.memory_space<vmem>>) offsets(%dma_start3A_6 : memref<128xi32, #tpu.memory_space<vmem>>) semaphore(%arg10 : memref<!tpu.dma_semaphore, #tpu.memory_space<semaphore_mem>>)
    %dma_start3A_10 = arith.constant 0 : i32
    %dma_start3A_11 = tpu.memref_slice %arg9[%dma_start3A_10] : memref<512xf32, #tpu.memory_space<vmem>> -> memref<128xf32, #tpu.memory_space<vmem>>
    %dma_start3A_12 = arith.constant 0 : i32
    %dma_start3A_13 = tpu.memref_slice %arg7[%dma_start3A_12] : memref<512xi32, #tpu.memory_space<vmem>> -> memref<128xi32, #tpu.memory_space<vmem>>
    %dma_start3A_14 = arith.constant 0 : i32
    %dma_start3A_15 = tpu.memref_slice %arg3[%dma_start3A_14] : memref<1000000xf32, #tpu.memory_space<hbm>> -> memref<1000000xf32, #tpu.memory_space<hbm>>
    tpu.enqueue_indirect_dma source(%dma_start3A_15 : memref<1000000xf32, #tpu.memory_space<hbm>>) target(%dma_start3A_11 : memref<128xf32, #tpu.memory_space<vmem>>) offsets(%dma_start3A_13 : memref<128xi32, #tpu.memory_space<vmem>>) semaphore(%arg11 : memref<!tpu.dma_semaphore, #tpu.memory_space<semaphore_mem>>)
    %dma_start3A_16 = arith.constant 128 : i32
    %dma_start3A_17 = arith.constant 0 : i32
    %dma_start3A_18 = tpu.memref_slice %arg8[%dma_start3A_16, %dma_start3A_17] : memref<512x32xf32, #tpu.memory_space<vmem>> -> memref<128x32xf32, #tpu.memory_space<vmem>>
    %dma_start3A_19 = arith.constant 128 : i32
    %dma_start3A_20 = tpu.memref_slice %arg7[%dma_start3A_19] : memref<512xi32, #tpu.memory_space<vmem>> -> memref<128xi32, #tpu.memory_space<vmem>>
    %dma_start3A_21 = arith.constant 0 : i32
    %dma_start3A_22 = arith.constant 0 : i32
    %dma_start3A_23 = tpu.memref_slice %arg4[%dma_start3A_21, %dma_start3A_22] : memref<1000000x32xf32, #tpu.memory_space<hbm>> -> memref<1000000x32xf32, #tpu.memory_space<hbm>>
    tpu.enqueue_indirect_dma source(%dma_start3A_23 : memref<1000000x32xf32, #tpu.memory_space<hbm>>) target(%dma_start3A_18 : memref<128x32xf32, #tpu.memory_space<vmem>>) offsets(%dma_start3A_20 : memref<128xi32, #tpu.memory_space<vmem>>) semaphore(%arg10 : memref<!tpu.dma_semaphore, #tpu.memory_space<semaphore_mem>>)
    %dma_start3A_24 = arith.constant 128 : i32
    %dma_start3A_25 = tpu.memref_slice %arg9[%dma_start3A_24] : memref<512xf32, #tpu.memory_space<vmem>> -> memref<128xf32, #tpu.memory_space<vmem>>
    %dma_start3A_26 = arith.constant 128 : i32
    %dma_start3A_27 = tpu.memref_slice %arg7[%dma_start3A_26] : memref<512xi32, #tpu.memory_space<vmem>> -> memref<128xi32, #tpu.memory_space<vmem>>
    %dma_start3A_28 = arith.constant 0 : i32
    %dma_start3A_29 = tpu.memref_slice %arg3[%dma_start3A_28] : memref<1000000xf32, #tpu.memory_space<hbm>> -> memref<1000000xf32, #tpu.memory_space<hbm>>
    tpu.enqueue_indirect_dma source(%dma_start3A_29 : memref<1000000xf32, #tpu.memory_space<hbm>>) target(%dma_start3A_25 : memref<128xf32, #tpu.memory_space<vmem>>) offsets(%dma_start3A_27 : memref<128xi32, #tpu.memory_space<vmem>>) semaphore(%arg11 : memref<!tpu.dma_semaphore, #tpu.memory_space<semaphore_mem>>)
    %dma_start3A_30 = arith.constant 256 : i32
    %dma_start3A_31 = arith.constant 0 : i32
    %dma_start3A_32 = tpu.memref_slice %arg8[%dma_start3A_30, %dma_start3A_31] : memref<512x32xf32, #tpu.memory_space<vmem>> -> memref<128x32xf32, #tpu.memory_space<vmem>>
    %dma_start3A_33 = arith.constant 256 : i32
    %dma_start3A_34 = tpu.memref_slice %arg7[%dma_start3A_33] : memref<512xi32, #tpu.memory_space<vmem>> -> memref<128xi32, #tpu.memory_space<vmem>>
    %dma_start3A_35 = arith.constant 0 : i32
    %dma_start3A_36 = arith.constant 0 : i32
    %dma_start3A_37 = tpu.memref_slice %arg4[%dma_start3A_35, %dma_start3A_36] : memref<1000000x32xf32, #tpu.memory_space<hbm>> -> memref<1000000x32xf32, #tpu.memory_space<hbm>>
    tpu.enqueue_indirect_dma source(%dma_start3A_37 : memref<1000000x32xf32, #tpu.memory_space<hbm>>) target(%dma_start3A_32 : memref<128x32xf32, #tpu.memory_space<vmem>>) offsets(%dma_start3A_34 : memref<128xi32, #tpu.memory_space<vmem>>) semaphore(%arg10 : memref<!tpu.dma_semaphore, #tpu.memory_space<semaphore_mem>>)
    %dma_start3A_38 = arith.constant 256 : i32
    %dma_start3A_39 = tpu.memref_slice %arg9[%dma_start3A_38] : memref<512xf32, #tpu.memory_space<vmem>> -> memref<128xf32, #tpu.memory_space<vmem>>
    %dma_start3A_40 = arith.constant 256 : i32
    %dma_start3A_41 = tpu.memref_slice %arg7[%dma_start3A_40] : memref<512xi32, #tpu.memory_space<vmem>> -> memref<128xi32, #tpu.memory_space<vmem>>
    %dma_start3A_42 = arith.constant 0 : i32
    %dma_start3A_43 = tpu.memref_slice %arg3[%dma_start3A_42] : memref<1000000xf32, #tpu.memory_space<hbm>> -> memref<1000000xf32, #tpu.memory_space<hbm>>
    tpu.enqueue_indirect_dma source(%dma_start3A_43 : memref<1000000xf32, #tpu.memory_space<hbm>>) target(%dma_start3A_39 : memref<128xf32, #tpu.memory_space<vmem>>) offsets(%dma_start3A_41 : memref<128xi32, #tpu.memory_space<vmem>>) semaphore(%arg11 : memref<!tpu.dma_semaphore, #tpu.memory_space<semaphore_mem>>)
    %dma_start3A_44 = arith.constant 384 : i32
    %dma_start3A_45 = arith.constant 0 : i32
    %dma_start3A_46 = tpu.memref_slice %arg8[%dma_start3A_44, %dma_start3A_45] : memref<512x32xf32, #tpu.memory_space<vmem>> -> memref<128x32xf32, #tpu.memory_space<vmem>>
    %dma_start3A_47 = arith.constant 384 : i32
    %dma_start3A_48 = tpu.memref_slice %arg7[%dma_start3A_47] : memref<512xi32, #tpu.memory_space<vmem>> -> memref<128xi32, #tpu.memory_space<vmem>>
    %dma_start3A_49 = arith.constant 0 : i32
    %dma_start3A_50 = arith.constant 0 : i32
    %dma_start3A_51 = tpu.memref_slice %arg4[%dma_start3A_49, %dma_start3A_50] : memref<1000000x32xf32, #tpu.memory_space<hbm>> -> memref<1000000x32xf32, #tpu.memory_space<hbm>>
    tpu.enqueue_indirect_dma source(%dma_start3A_51 : memref<1000000x32xf32, #tpu.memory_space<hbm>>) target(%dma_start3A_46 : memref<128x32xf32, #tpu.memory_space<vmem>>) offsets(%dma_start3A_48 : memref<128xi32, #tpu.memory_space<vmem>>) semaphore(%arg10 : memref<!tpu.dma_semaphore, #tpu.memory_space<semaphore_mem>>)
    %dma_start3A_52 = arith.constant 384 : i32
    %dma_start3A_53 = tpu.memref_slice %arg9[%dma_start3A_52] : memref<512xf32, #tpu.memory_space<vmem>> -> memref<128xf32, #tpu.memory_space<vmem>>
    %dma_start3A_54 = arith.constant 384 : i32
    %dma_start3A_55 = tpu.memref_slice %arg7[%dma_start3A_54] : memref<512xi32, #tpu.memory_space<vmem>> -> memref<128xi32, #tpu.memory_space<vmem>>
    %dma_start3A_56 = arith.constant 0 : i32
    %dma_start3A_57 = tpu.memref_slice %arg3[%dma_start3A_56] : memref<1000000xf32, #tpu.memory_space<hbm>> -> memref<1000000xf32, #tpu.memory_space<hbm>>
    tpu.enqueue_indirect_dma source(%dma_start3A_57 : memref<1000000xf32, #tpu.memory_space<hbm>>) target(%dma_start3A_53 : memref<128xf32, #tpu.memory_space<vmem>>) offsets(%dma_start3A_55 : memref<128xi32, #tpu.memory_space<vmem>>) semaphore(%arg11 : memref<!tpu.dma_semaphore, #tpu.memory_space<semaphore_mem>>)
    %dma_wait3A = arith.constant 0 : i32
    %dma_wait3A_58 = arith.constant 0 : i32
    %dma_wait3A_59 = tpu.memref_slice %arg8[%dma_wait3A, %dma_wait3A_58] : memref<512x32xf32, #tpu.memory_space<vmem>> -> memref<128x32xf32, #tpu.memory_space<vmem>>
    %dma_wait3A_60 = arith.constant 0 : i32
    %dma_wait3A_61 = tpu.memref_slice %arg7[%dma_wait3A_60] : memref<512xi32, #tpu.memory_space<vmem>> -> memref<128xi32, #tpu.memory_space<vmem>>
    %dma_wait3A_62 = arith.constant 0 : i32
    %dma_wait3A_63 = arith.constant 0 : i32
    %dma_wait3A_64 = tpu.memref_slice %arg4[%dma_wait3A_62, %dma_wait3A_63] : memref<1000000x32xf32, #tpu.memory_space<hbm>> -> memref<1000000x32xf32, #tpu.memory_space<hbm>>
    tpu.wait_indirect_dma semaphore(%arg10 : memref<!tpu.dma_semaphore, #tpu.memory_space<semaphore_mem>>) src(%dma_wait3A_64 : memref<1000000x32xf32, #tpu.memory_space<hbm>>) dst(%dma_wait3A_59 : memref<128x32xf32, #tpu.memory_space<vmem>>)
    %dma_wait3A_65 = arith.constant 0 : i32
    %dma_wait3A_66 = tpu.memref_slice %arg9[%dma_wait3A_65] : memref<512xf32, #tpu.memory_space<vmem>> -> memref<128xf32, #tpu.memory_space<vmem>>
    %dma_wait3A_67 = arith.constant 0 : i32
    %dma_wait3A_68 = tpu.memref_slice %arg7[%dma_wait3A_67] : memref<512xi32, #tpu.memory_space<vmem>> -> memref<128xi32, #tpu.memory_space<vmem>>
    %dma_wait3A_69 = arith.constant 0 : i32
    %dma_wait3A_70 = tpu.memref_slice %arg3[%dma_wait3A_69] : memref<1000000xf32, #tpu.memory_space<hbm>> -> memref<1000000xf32, #tpu.memory_space<hbm>>
    tpu.wait_indirect_dma semaphore(%arg11 : memref<!tpu.dma_semaphore, #tpu.memory_space<semaphore_mem>>) src(%dma_wait3A_70 : memref<1000000xf32, #tpu.memory_space<hbm>>) dst(%dma_wait3A_66 : memref<128xf32, #tpu.memory_space<vmem>>)
    %dma_wait3A_71 = arith.constant 128 : i32
    %dma_wait3A_72 = arith.constant 0 : i32
    %dma_wait3A_73 = tpu.memref_slice %arg8[%dma_wait3A_71, %dma_wait3A_72] : memref<512x32xf32, #tpu.memory_space<vmem>> -> memref<128x32xf32, #tpu.memory_space<vmem>>
    %dma_wait3A_74 = arith.constant 128 : i32
    %dma_wait3A_75 = tpu.memref_slice %arg7[%dma_wait3A_74] : memref<512xi32, #tpu.memory_space<vmem>> -> memref<128xi32, #tpu.memory_space<vmem>>
    %dma_wait3A_76 = arith.constant 0 : i32
    %dma_wait3A_77 = arith.constant 0 : i32
    %dma_wait3A_78 = tpu.memref_slice %arg4[%dma_wait3A_76, %dma_wait3A_77] : memref<1000000x32xf32, #tpu.memory_space<hbm>> -> memref<1000000x32xf32, #tpu.memory_space<hbm>>
    tpu.wait_indirect_dma semaphore(%arg10 : memref<!tpu.dma_semaphore, #tpu.memory_space<semaphore_mem>>) src(%dma_wait3A_78 : memref<1000000x32xf32, #tpu.memory_space<hbm>>) dst(%dma_wait3A_73 : memref<128x32xf32, #tpu.memory_space<vmem>>)
    %dma_wait3A_79 = arith.constant 128 : i32
    %dma_wait3A_80 = tpu.memref_slice %arg9[%dma_wait3A_79] : memref<512xf32, #tpu.memory_space<vmem>> -> memref<128xf32, #tpu.memory_space<vmem>>
    %dma_wait3A_81 = arith.constant 128 : i32
    %dma_wait3A_82 = tpu.memref_slice %arg7[%dma_wait3A_81] : memref<512xi32, #tpu.memory_space<vmem>> -> memref<128xi32, #tpu.memory_space<vmem>>
    %dma_wait3A_83 = arith.constant 0 : i32
    %dma_wait3A_84 = tpu.memref_slice %arg3[%dma_wait3A_83] : memref<1000000xf32, #tpu.memory_space<hbm>> -> memref<1000000xf32, #tpu.memory_space<hbm>>
    tpu.wait_indirect_dma semaphore(%arg11 : memref<!tpu.dma_semaphore, #tpu.memory_space<semaphore_mem>>) src(%dma_wait3A_84 : memref<1000000xf32, #tpu.memory_space<hbm>>) dst(%dma_wait3A_80 : memref<128xf32, #tpu.memory_space<vmem>>)
    %dma_wait3A_85 = arith.constant 256 : i32
    %dma_wait3A_86 = arith.constant 0 : i32
    %dma_wait3A_87 = tpu.memref_slice %arg8[%dma_wait3A_85, %dma_wait3A_86] : memref<512x32xf32, #tpu.memory_space<vmem>> -> memref<128x32xf32, #tpu.memory_space<vmem>>
    %dma_wait3A_88 = arith.constant 256 : i32
    %dma_wait3A_89 = tpu.memref_slice %arg7[%dma_wait3A_88] : memref<512xi32, #tpu.memory_space<vmem>> -> memref<128xi32, #tpu.memory_space<vmem>>
    %dma_wait3A_90 = arith.constant 0 : i32
    %dma_wait3A_91 = arith.constant 0 : i32
    %dma_wait3A_92 = tpu.memref_slice %arg4[%dma_wait3A_90, %dma_wait3A_91] : memref<1000000x32xf32, #tpu.memory_space<hbm>> -> memref<1000000x32xf32, #tpu.memory_space<hbm>>
    tpu.wait_indirect_dma semaphore(%arg10 : memref<!tpu.dma_semaphore, #tpu.memory_space<semaphore_mem>>) src(%dma_wait3A_92 : memref<1000000x32xf32, #tpu.memory_space<hbm>>) dst(%dma_wait3A_87 : memref<128x32xf32, #tpu.memory_space<vmem>>)
    %dma_wait3A_93 = arith.constant 256 : i32
    %dma_wait3A_94 = tpu.memref_slice %arg9[%dma_wait3A_93] : memref<512xf32, #tpu.memory_space<vmem>> -> memref<128xf32, #tpu.memory_space<vmem>>
    %dma_wait3A_95 = arith.constant 256 : i32
    %dma_wait3A_96 = tpu.memref_slice %arg7[%dma_wait3A_95] : memref<512xi32, #tpu.memory_space<vmem>> -> memref<128xi32, #tpu.memory_space<vmem>>
    %dma_wait3A_97 = arith.constant 0 : i32
    %dma_wait3A_98 = tpu.memref_slice %arg3[%dma_wait3A_97] : memref<1000000xf32, #tpu.memory_space<hbm>> -> memref<1000000xf32, #tpu.memory_space<hbm>>
    tpu.wait_indirect_dma semaphore(%arg11 : memref<!tpu.dma_semaphore, #tpu.memory_space<semaphore_mem>>) src(%dma_wait3A_98 : memref<1000000xf32, #tpu.memory_space<hbm>>) dst(%dma_wait3A_94 : memref<128xf32, #tpu.memory_space<vmem>>)
    %dma_wait3A_99 = arith.constant 384 : i32
    %dma_wait3A_100 = arith.constant 0 : i32
    %dma_wait3A_101 = tpu.memref_slice %arg8[%dma_wait3A_99, %dma_wait3A_100] : memref<512x32xf32, #tpu.memory_space<vmem>> -> memref<128x32xf32, #tpu.memory_space<vmem>>
    %dma_wait3A_102 = arith.constant 384 : i32
    %dma_wait3A_103 = tpu.memref_slice %arg7[%dma_wait3A_102] : memref<512xi32, #tpu.memory_space<vmem>> -> memref<128xi32, #tpu.memory_space<vmem>>
    %dma_wait3A_104 = arith.constant 0 : i32
    %dma_wait3A_105 = arith.constant 0 : i32
    %dma_wait3A_106 = tpu.memref_slice %arg4[%dma_wait3A_104, %dma_wait3A_105] : memref<1000000x32xf32, #tpu.memory_space<hbm>> -> memref<1000000x32xf32, #tpu.memory_space<hbm>>
    tpu.wait_indirect_dma semaphore(%arg10 : memref<!tpu.dma_semaphore, #tpu.memory_space<semaphore_mem>>) src(%dma_wait3A_106 : memref<1000000x32xf32, #tpu.memory_space<hbm>>) dst(%dma_wait3A_101 : memref<128x32xf32, #tpu.memory_space<vmem>>)
    %dma_wait3A_107 = arith.constant 384 : i32
    %dma_wait3A_108 = tpu.memref_slice %arg9[%dma_wait3A_107] : memref<512xf32, #tpu.memory_space<vmem>> -> memref<128xf32, #tpu.memory_space<vmem>>
    %dma_wait3A_109 = arith.constant 384 : i32
    %dma_wait3A_110 = tpu.memref_slice %arg7[%dma_wait3A_109] : memref<512xi32, #tpu.memory_space<vmem>> -> memref<128xi32, #tpu.memory_space<vmem>>
    %dma_wait3A_111 = arith.constant 0 : i32
    %dma_wait3A_112 = tpu.memref_slice %arg3[%dma_wait3A_111] : memref<1000000xf32, #tpu.memory_space<hbm>> -> memref<1000000xf32, #tpu.memory_space<hbm>>
    tpu.wait_indirect_dma semaphore(%arg11 : memref<!tpu.dma_semaphore, #tpu.memory_space<semaphore_mem>>) src(%dma_wait3A_112 : memref<1000000xf32, #tpu.memory_space<hbm>>) dst(%dma_wait3A_108 : memref<128xf32, #tpu.memory_space<vmem>>)
    "tpu.region"() ({
      %run_scoped3A = tpu.sem_alloc : memref<!tpu.dma_semaphore, #tpu.memory_space<semaphore_mem>>
      %dma_start3A_113 = arith.constant 0 : i32
      %dma_start3A_114 = tpu.memref_slice %arg5[%multiple_of3A, %dma_start3A_113] : memref<16384x32xf32, #tpu.memory_space<hbm>> -> memref<512x32xf32, #tpu.memory_space<hbm>>
      %dma_start3A_115 = arith.constant 0 : i32
      %dma_start3A_116 = tpu.memref_slice %arg5[%multiple_of3A, %dma_start3A_115] : memref<16384x32xf32, #tpu.memory_space<hbm>> -> memref<512x32xf32, #tpu.memory_space<hbm>>
      tpu.enqueue_dma source(%arg8 : memref<512x32xf32, #tpu.memory_space<vmem>>) target(%dma_start3A_116 : memref<512x32xf32, #tpu.memory_space<hbm>>) target_semaphore(%run_scoped3A : memref<!tpu.dma_semaphore, #tpu.memory_space<semaphore_mem>>)
      %dma_wait3A_117 = arith.constant 0 : i32
      %dma_wait3A_118 = tpu.memref_slice %arg5[%multiple_of3A, %dma_wait3A_117] : memref<16384x32xf32, #tpu.memory_space<hbm>> -> memref<512x32xf32, #tpu.memory_space<hbm>>
      %dma_wait3A_119 = arith.constant 0 : i32
      %dma_wait3A_120 = tpu.memref_slice %arg5[%multiple_of3A, %dma_wait3A_119] : memref<16384x32xf32, #tpu.memory_space<hbm>> -> memref<512x32xf32, #tpu.memory_space<hbm>>
      tpu.wait_dma2 semaphore(%run_scoped3A : memref<!tpu.dma_semaphore, #tpu.memory_space<semaphore_mem>>) src(%arg8 : memref<512x32xf32, #tpu.memory_space<vmem>>) dst(%dma_wait3A_120 : memref<512x32xf32, #tpu.memory_space<hbm>>)
      tpu.yield
    }) : () -> ()
    "tpu.region"() ({
      %run_scoped3A = tpu.sem_alloc : memref<!tpu.dma_semaphore, #tpu.memory_space<semaphore_mem>>
      %dma_start3A_113 = tpu.memref_slice %arg6[%multiple_of3A] : memref<16384xf32, #tpu.memory_space<hbm>> -> memref<512xf32, #tpu.memory_space<hbm>>
      %dma_start3A_114 = tpu.memref_slice %arg6[%multiple_of3A] : memref<16384xf32, #tpu.memory_space<hbm>> -> memref<512xf32, #tpu.memory_space<hbm>>
      tpu.enqueue_dma source(%arg9 : memref<512xf32, #tpu.memory_space<vmem>>) target(%dma_start3A_114 : memref<512xf32, #tpu.memory_space<hbm>>) target_semaphore(%run_scoped3A : memref<!tpu.dma_semaphore, #tpu.memory_space<semaphore_mem>>)
      %dma_wait3A_115 = tpu.memref_slice %arg6[%multiple_of3A] : memref<16384xf32, #tpu.memory_space<hbm>> -> memref<512xf32, #tpu.memory_space<hbm>>
      %dma_wait3A_116 = tpu.memref_slice %arg6[%multiple_of3A] : memref<16384xf32, #tpu.memory_space<hbm>> -> memref<512xf32, #tpu.memory_space<hbm>>
      tpu.wait_dma2 semaphore(%run_scoped3A : memref<!tpu.dma_semaphore, #tpu.memory_space<semaphore_mem>>) src(%arg9 : memref<512xf32, #tpu.memory_space<vmem>>) dst(%dma_wait3A_116 : memref<512xf32, #tpu.memory_space<hbm>>)
      tpu.yield
    }) : () -> ()
    return
  }
}

module attributes {stable_mosaic.version = 14 : i64} {
  func.func @_dense_tc(%arg0: i32, %arg1: memref<2xf32, #tpu.memory_space<smem>>, %arg2: memref<2048x32xf32, #tpu.memory_space<vmem>>, %arg3: memref<2048x32xf32, #tpu.memory_space<vmem>>, %arg4: memref<2048xf32, #tpu.memory_space<vmem>>, %arg5: memref<2048xf32, #tpu.memory_space<vmem>>, %arg6: memref<2048xf32, #tpu.memory_space<vmem>>, %arg7: memref<2048xf32, #tpu.memory_space<vmem>>) attributes {dimension_semantics = [#tpu.dimension_semantics<arbitrary>], iteration_bounds = array<i64: 8>, scalar_prefetch = 0 : i64, scratch_operands = 0 : i64, tpu.core_type = #tpu.core_type<tc>, window_params = [{transform_indices = @transform_0, window_bounds = array<i64: 2>}, {transform_indices = @transform_1, window_bounds = array<i64: 2048, 32>}, {transform_indices = @transform_2, window_bounds = array<i64: 2048, 32>}, {transform_indices = @transform_3, window_bounds = array<i64: 2048>}, {transform_indices = @transform_4, window_bounds = array<i64: 2048>}, {transform_indices = @transform_5, window_bounds = array<i64: 2048>}, {transform_indices = @transform_6, window_bounds = array<i64: 2048>}]} {
    %get3A = arith.constant 0 : index
    %get3A_0 = memref.load %arg1[%get3A] : memref<2xf32, #tpu.memory_space<smem>>
    %get3A_1 = arith.constant 1 : index
    %get3A_2 = memref.load %arg1[%get3A_1] : memref<2xf32, #tpu.memory_space<smem>>
    %get3A_3 = arith.constant 0 : index
    %get3A_4 = arith.constant 0 : index
    %get3A_5 = vector.load %arg2[%get3A_3, %get3A_4] : memref<2048x32xf32, #tpu.memory_space<vmem>>, vector<2048x32xf32>
    %get3A_6 = arith.constant 0 : index
    %get3A_7 = arith.constant 0 : index
    %get3A_8 = vector.load %arg3[%get3A_6, %get3A_7] : memref<2048x32xf32, #tpu.memory_space<vmem>>, vector<2048x32xf32>
    %mul3A = arith.mulf %get3A_5, %get3A_8 : vector<2048x32xf32>
    %reduce_sum3A = arith.constant dense<0.000000e+00> : vector<2048xf32>
    %reduce_sum3A_9 = vector.multi_reduction <add>, %mul3A, %reduce_sum3A [1] : vector<2048x32xf32> to vector<2048xf32>
    %get3A_10 = arith.constant 0 : index
    %get3A_11 = vector.load %arg4[%get3A_10] : memref<2048xf32, #tpu.memory_space<vmem>>, vector<2048xf32>
    %add3A = arith.addf %reduce_sum3A_9, %get3A_11 : vector<2048xf32>
    %get3A_12 = arith.constant 0 : index
    %get3A_13 = vector.load %arg5[%get3A_12] : memref<2048xf32, #tpu.memory_space<vmem>>, vector<2048xf32>
    %add3A_14 = arith.addf %add3A, %get3A_13 : vector<2048xf32>
    %get3A_15 = arith.constant 0 : index
    %get3A_16 = vector.load %arg6[%get3A_15] : memref<2048xf32, #tpu.memory_space<vmem>>, vector<2048xf32>
    %log3A = math.log %get3A_16 : vector<2048xf32>
    %mul3A_17 = vector.broadcast %get3A_2 : f32 to vector<2048xf32>
    %mul3A_18 = arith.mulf %mul3A_17, %log3A : vector<2048xf32>
    %add3A_19 = arith.addf %add3A_14, %mul3A_18 : vector<2048xf32>
    %add3A_20 = vector.broadcast %get3A_0 : f32 to vector<2048xf32>
    %add3A_21 = arith.addf %add3A_19, %add3A_20 : vector<2048xf32>
    %swap3A = arith.constant 0 : index
    %swap3A_22 = vector.load %arg7[%swap3A] : memref<2048xf32, #tpu.memory_space<vmem>>, vector<2048xf32>
    tpu.vector_store %arg7[%swap3A], %add3A_21 {strides = array<i32>} : memref<2048xf32, #tpu.memory_space<vmem>>, vector<2048xf32>,
    return
  }
  func.func @transform_0(%arg0: i32) -> i32 {
    %c0_i32 = arith.constant 0 : i32
    %c0_i32_0 = arith.constant 0 : i32
    return %c0_i32 : i32
  }
  func.func @transform_1(%arg0: i32) -> (i32, i32) {
    %c0_i32 = arith.constant 0 : i32
    %c0_i32_0 = arith.constant 0 : i32
    return %arg0, %c0_i32 : i32, i32
  }
  func.func @transform_2(%arg0: i32) -> (i32, i32) {
    %c0_i32 = arith.constant 0 : i32
    %c0_i32_0 = arith.constant 0 : i32
    return %arg0, %c0_i32 : i32, i32
  }
  func.func @transform_3(%arg0: i32) -> i32 {
    %c0_i32 = arith.constant 0 : i32
    return %arg0 : i32
  }
  func.func @transform_4(%arg0: i32) -> i32 {
    %c0_i32 = arith.constant 0 : i32
    return %arg0 : i32
  }
  func.func @transform_5(%arg0: i32) -> i32 {
    %c0_i32 = arith.constant 0 : i32
    return %arg0 : i32
  }
  func.func @transform_6(%arg0: i32) -> i32 {
    %c0_i32 = arith.constant 0 : i32
    return %arg0 : i32
  }
}

</mosaic_0001>

<sc_bundles>
// kernel: kernel.5.cloned.1.call-start
scs
__scs_entry_jumppad:
0x0: {  	(pc) =	sbr.rel $0x88, $3  }
0x1: {  	(tag) =	ssettag $0x0;
	lr =	simm.s32 $0x1  }
0x2: {  	[smem:$0x3F97] =	sst lr;
	_ =	strace $0xD0000000  }
0x3: {  	_ = 	snop  }
0x4: {  	_ = 	snop  }
0x5: {  	_ = 	snop  }
0x6: {  	_ = 	snop  }
0x7: {  	_ = 	snop  }
__scs_overlays_trampoline_lowered:
0x8: {  	[smem:$0x3FA6] =	sst s0  }
0x9: {  	[smem:$0x3FA7] =	sst s1  }
0xa: {  	[smem:$0x3FA8] =	sst s2  }
0xb: {  	[smem:$0x3FA9] =	sst s3  }
0xc: {  	[smem:$0x3FAA] =	sst s4  }
0xd: {  	[smem:$0x3FAB] =	sst s5  }
0xe: {  	[smem:$0x3FAC] =	sst s6  }
0xf: {  	[smem:$0x3FAD] =	sst s7  }
0x10: {  	[smem:$0x3FAE] =	sst s8  }
0x11: {  	[smem:$0x3FAF] =	sst s9;
	s0 =	simm.s32 @!p0 $0x0  }
0x12: {  	s1 =	sld [smem:$0x3F95];
	s0 =	simm.s32 @p0 $0x1  }
0x13: {  	[smem:$0x3FB0] =	sst s0;
	s0 =	simm.s32 @!p1 $0x0  }
0x14: {  	s2 =	sld [smem:$0x3F94];
	s0 =	simm.s32 @p1 $0x1  }
0x15: {  	[smem:$0x3FB1] =	sst s0;
	s0 =	simm.s32 @!p2 $0x0  }
0x16: {  	s3 =	sld [smem:$0x3FDB];
	s0 =	simm.s32 @p2 $0x1  }
0x17: {  	s4 =	simm.s32 $0x1BF5;
	[smem:$0x3FB3] =	sst s0  }
0x18: {  	s0 =	sld [smem:$0x3F96];
	_ =	swait.ge [sflag:s4], $0x0  }
0x19: {  	s7 =	sld [smem:$0x3F97]  }
0x1a: {  	s8 =	sadd.s32 $0xFFFFE003, lr  }
0x1b: {  	s9 =	sadd.s32 $0xFFFFFEF7, lr;
	s5 =	simm.s32 $0xFFFFFFFF;
	p2 =	slt.u32 s8, $0xFFFFF086  }
0x1c: {  	p1 =	slt.u32 s9, $0xF7A;
	s5 =	simm.s32 @!p2 $0x0  }
0x1d: {  	s5 =	simm.s32 @p1 $0x1;
	p0 =	seq.s32 s7, s2  }
0x1e: {  	s7 =	smul.u32 @!p0 $0xF7A, s2;
	p2 =	seq.s32 @!p0 s5, $0x0  }
0x1f: {  	s9 =	smul.u32 $0xF7A, s1;
	s8 =	simm.s32 @!p0 $0x1BF5;
	p2 =	por !p2, p0  }
0x20: {  	[sflag:s8] =	ssyncset.s32 @!p0 $0xFFFFF086;
	s6 =	sadd.s32 @!p0 s3, s7;
	s7 =	simm.s32 @!p0 $0x108  }
0x21: {  	s3 =	sadd.s32 s3, s9;
	s6 =	sadd.s32 @!p0 $0x88, s6;
	s7 =	simm.s32 @p2 $0x1082  }
0x22: {  	[simem:s7], [sflag:s8] =	dma.local @!p0 [hbm:s6], $0xF7A  }
0x23: {  	s9 =	sor.u32 $0xD0000000, s2;
	s6 =	simm.s32 $0x108;
	_ =	swait.ge @!p0 [sflag:s8], $0x0  }
0x24: {  	s3 =	sadd.s32 $0x88, s3;
	s6 =	simm.s32 @!p1 $0x1082;
	[sflag:s4] =	ssyncset.s32 $0xFFFFF086  }
0x25: {  	[simem:s6], [sflag:s4] =	dma.local [hbm:s3], $0xF7A  }
0x26: {  	[smem:$0x3F97] =	sst s1;
	(tag) =	ssettag s2;
	_ =	strace s9  }
0x27: {  	s1 =	sld [smem:$0x3FA7]  }
0x28: {  	s2 =	sld [smem:$0x3FA8]  }
0x29: {  	s4 =	sld [smem:$0x3FAA]  }
0x2a: {  	p0 =	seq.s32 s5, $0x0;
	s5 =	sld [smem:$0x3FAB]  }
0x2b: {  	s6 =	sld [smem:$0x3FAC]  }
0x2c: {  	s7 =	sld [smem:$0x3FAD]  }
0x2d: {  	s3 =	simm.s32 $0x108;
	s8 =	sld [smem:$0x3FAE]  }
0x2e: {  	s3 =	simm.s32 @!p0 $0x1082;
	s9 =	sld [smem:$0x3FAF]  }
0x2f: {  	lr =	sadd.s32 s0, s3;
	s0 =	sld [smem:$0x3FA6]  }
0x30: {  	s3 =	sld [smem:$0x3FA9]  }
0x31: {  	[smem:$0x3FB2] =	sst s10  }
0x32: {  	s10 =	sld [smem:$0x3FB0];
	_ =	sdelay $0x3  }
0x33: {  	p0 =	seq.s32 s10, $0x1;
	s10 =	sld [smem:$0x3FB2];
	_ =	sdelay $0x3  }
0x34: {  	[smem:$0x3FB2] =	sst s10  }
0x35: {  	s10 =	sld [smem:$0x3FB1];
	_ =	sdelay $0x3  }
0x36: {  	p1 =	seq.s32 s10, $0x1;
	s10 =	sld [smem:$0x3FB2];
	_ =	sdelay $0x3  }
0x37: {  	[smem:$0x3FB2] =	sst s10  }
0x38: {  	s10 =	sld [smem:$0x3FB3]  }
0x39: {  	_ = 	snop;
	(pc) =	sbr.ind lr, $3  }
0x3a: {  	_ = 	snop  }
0x3b: {  	_ = 	snop  }
0x3c: {  	p2 =	seq.s32 s10, $0x1;
	s10 =	sld [smem:$0x3FB2]  }
0x3d: {  	_ =	shalt  }
0x3e: {  	_ =	shalt  }
0x3f: {  	_ =	shalt  }
0x40: {  	_ =	shalt  }
0x41: {  	_ =	shalt  }
0x42: {  	_ =	shalt  }
0x43: {  	_ =	shalt  }
0x44: {  	_ =	shalt  }
0x45: {  	_ =	shalt  }
0x46: {  	_ =	shalt  }
0x47: {  	_ =	shalt  }
0x48: {  	_ =	shalt  }
0x49: {  	_ =	shalt  }
0x4a: {  	_ =	shalt  }
0x4b: {  	_ =	shalt  }
0x4c: {  	_ =	shalt  }
0x4d: {  	_ =	shalt  }
0x4e: {  	_ =	shalt  }
0x4f: {  	_ =	shalt  }
0x50: {  	_ =	shalt  }
0x51: {  	_ =	shalt  }
0x52: {  	_ =	shalt  }
0x53: {  	_ =	shalt  }
0x54: {  	_ =	shalt  }
0x55: {  	_ =	shalt  }
0x56: {  	_ =	shalt  }
0x57: {  	_ =	shalt  }
0x58: {  	_ =	shalt  }
0x59: {  	_ =	shalt  }
0x5a: {  	_ =	shalt  }
0x5b: {  	_ =	shalt  }
0x5c: {  	_ =	shalt  }
0x5d: {  	_ =	shalt  }
0x5e: {  	_ =	shalt  }
0x5f: {  	_ =	shalt  }
0x60: {  	_ =	shalt  }
0x61: {  	_ =	shalt  }
0x62: {  	_ =	shalt  }
0x63: {  	_ =	shalt  }
0x64: {  	_ =	shalt  }
0x65: {  	_ =	shalt  }
0x66: {  	_ =	shalt  }
0x67: {  	_ =	shalt  }
0x68: {  	_ =	shalt  }
0x69: {  	_ =	shalt  }
0x6a: {  	_ =	shalt  }
0x6b: {  	_ =	shalt  }
0x6c: {  	_ =	shalt  }
0x6d: {  	_ =	shalt  }
0x6e: {  	_ =	shalt  }
0x6f: {  	_ =	shalt  }
0x70: {  	_ =	shalt  }
0x71: {  	_ =	shalt  }
0x72: {  	_ =	shalt  }
0x73: {  	_ =	shalt  }
0x74: {  	_ =	shalt  }
0x75: {  	_ =	shalt  }
0x76: {  	_ =	shalt  }
0x77: {  	_ =	shalt  }
0x78: {  	_ =	shalt  }
0x79: {  	_ =	shalt  }
0x7a: {  	_ =	shalt  }
0x7b: {  	_ =	shalt  }
0x7c: {  	_ =	shalt  }
0x7d: {  	_ =	shalt  }
0x7e: {  	_ =	shalt  }
0x7f: {  	_ =	shalt  }
0x80: {  	_ =	shalt  }
0x81: {  	_ =	shalt  }
0x82: {  	_ =	shalt  }
0x83: {  	_ =	shalt  }
0x84: {  	_ =	shalt  }
0x85: {  	_ =	shalt  }
0x86: {  	_ =	shalt  }
0x87: {  	_ =	shalt  }
.Lfunc_end0:
.L_simem_size_0:
called_computation_lowered:
.L_overlay_start_0:
0x88: {  	s2 =	sld [smem:$0x3FD9]  }
0x89: {  	s3 =	sld [smem:$0x3FFE];
	_ =	sdelay $0x1  }
0x8a: {  	s1 =	srdreg.scid  }
0x8b: {  	s0 =	sand.u32 $0x1, s1  }
0x8c: {  	s17 =	sshll.u32 s0, $0xA;
	s2 =	sadd.s32 s3, s2  }
0x8d: {  	s2 =	sadd.s32 s2, s17  }
0x8e: {  	[smem:$0x3FBE] =	sst s2  }
0x8f: {  	_ = 	snop  }
0x90: {  	s2 =	sld [smem:$0x3FC9]  }
0x91: {  	s18 =	sld [smem:$0x3FC5];
	(tm) =	ssettm $0x1  }
0x92: {  	s4 =	sld [smem:$0x3FFB];
	_ =	sdelay $0x3  }
0x93: {  	_ =	strace s4  }
0x94: {  	s4 =	sld [smem:$0x3FFC];
	_ =	sdelay $0x3  }
0x95: {  	_ =	strace s4  }
0x96: {  	s4 =	sld [smem:$0x3FFD];
	_ =	sdelay $0x3  }
0x97: {  	_ =	strace s4  }
0x98: {  	_ =	strace $0x8FFFFFFF  }
0x99: {  	s19 =	sld [smem:$0x3FDB];
	_ =	sdelay $0x1  }
0x9a: {  	s5 =	simm.s32 $_scs_section_size  }
0x9b: {  	s6 =	simm.s32 $_size__tile_overlayer_lowered;
	s7 =	simm.s32 $_tile_overlayer_lowered  }
0x9c: {  	s22 =	simm.s32 $0x1BFF;
	s21 =	sshll.u32 s7, $0x1;
	s4 =	sadd.s32 s5, s19  }
0x9d: {  	s8 =	simm.s32 $0x0;
	s20 =	sshll.u32 s6, $0x1;
	s6 =	sadd.s32 s21, s4  }
0x9e: {  	[timem:s8], [sflag:s22] =	dma.local [hbm:s6], s20  }
0x9f: {  	_ =	swait.ge [sflag:s22], s20  }
0xa0: {  	s5 =	ssub.s32 $0x0, s20;
	[sflag:s22] =	ssyncset.done $0x0  }
0xa1: {  	[sflag:s22] =	ssyncadd.s32 s5;
	_ =	sdelay $0x1  }
0xa2: {  	s23 =	simm.s32 $0x1B8B  }
0xa3: {  	_ =	swait.ge [sflag:s23], $0x1  }
0xa4: {  	[sflag:s23] =	ssyncset.done $0x0  }
0xa5: {  	s25 =	simm.s32 $0x1B8E;
	s24 =	sld [smem:$0x3FFE];
	[sflag:s23] =	ssyncadd.s32 $0xFFFFFFFF  }
0xa6: {  	s26 =	simm.s32 $execute0_lowered;
	[smem:$0x3FD2] =	sst s25  }
0xa7: {  	s6 =	sshll.u32 s26, $0x1;
	_ =	strace $0x80000046;
	[dreg:$0x1] =	wrdreg $0xFFFFFFFF  }
0xa8: {  	s28 =	simm.s32 $_size_execute0_lowered;
	s4 =	sadd.s32 s4, s6;
	[dreg:$0x0] =	wrdreg $0x0  }
0xa9: {  	s6 =	sshll.u32 s28, $0x1;
	[dreg:$0x2] =	wrdreg s4  }
0xaa: {  	[dreg:$0x3] =	wrdreg s6  }
0xab: {  	[dreg:$0x4] =	wrdreg $0xC0  }
0xac: {  	_ =	task [dreg:s8], $0x5FFFF  }
0xad: {  	[dreg:$0x1] =	wrdreg $0xFFFFFFFF  }
0xae: {  	[dreg:$0x0] =	wrdreg $0x60  }
0xaf: {  	[dreg:$0x2] =	wrdreg s2  }
0xb0: {  	[dreg:$0x3] =	wrdreg s18  }
0xb1: {  	[dreg:$0x4] =	wrdreg s24  }
0xb2: {  	[dreg:$0x5] =	wrdreg $0x9  }
0xb3: {  	_ =	task.clear_ibuf [dreg:s8], $0x6FFFF;
	_ =	strace $0x90000046  }
0xb4: {  	s29 =	simm.s32 $0x9;
	_ =	strace $0x80000048  }
0xb5: {  	_ =	swait.ge [sflag:s29], $0x1  }
0xb6: {  	[sflag:s29] =	ssyncadd.s32 $0xFFFFFFFF  }
0xb7: {  	_ =	strace $0x90000048  }
0xb8: {  	_ =	sfence  }
0xb9: {  	s30 =	sld [smem:$0x0];
	_ =	sdelay $0x2  }
0xba: {  	s31 =	sshll.u32 s1, $0xD;
	s1 =	sshrl.u32 s1, $0x2  }
0xbb: {  	s3 =	sand.u32 $0x4000, s31;
	s1 =	sadd.s32 s1, s30  }
0xbc: {  	s0 =	sor.u32 s3, s0;
	s1 =	sshll.u32 s1, $0x11  }
0xbd: {  	s0 =	sor.u32 s1, s0  }
0xbe: {  	s0 =	sadd.s32 $0x8F2B, s0  }
0xbf: {  	[sflag:s0] =	ssyncadd.remote.s32 $0x1  }
0xc0: {  	_ =	sfence.sel $0xFFFF  }
0xc1: {  	[dreg:$0x0] =	wrdreg $0xFFFFFFFF;
	(pc) =	sbr.abs _section_cstart, $3  }
0xc2: {  	[dreg:$0x1] =	wrdreg $0xFFFFFFFF  }
0xc3: {  	_ =	task.clear_ibuf [dreg:s8], $0x2FFFF;
	_ =	strace $0x9FFFFFFF  }
0xc4: {  	(tm) =	ssettm $0x7FFFFFFF  }
0xc5: {  	_ =	shalt  }
tec
execute0_lowered:
.L_overlay_start_1:
0x0: {  	(tag) =	ssettag $0x1  }
0x1: {  	s4 =	rddreg [dreg:$0x0];
	s1 =	srdreg.scid  }
0x2: {  	s2 =	rddreg [dreg:$0x1];
	s0 =	stileid.u32;
	s20 =	sand.u32 $0x1, s1  }
0x3: {  	s21 =	rddreg [dreg:$0x2];
	s5 =	sshll.u32 s0, $0xA;
	s6 =	sshll.u32 s20, $0x9  }
0x4: {  	s3 =	simm.s32 $0x0;
	s1 =	rddreg [dreg:$0x3];
	s22 =	sor.u32 s6, s5  }
0x5: {  	[smem:$0x7FF] =	sst s3;
	s23 =	sshrl.u32 s22, $0x3  }
0x6: {  	_ =	strace $0x80000047;
	s5 =	sadd.s32 s4, s23;
	s4 =	simm.s32 $0x3  }
0x7: {  	[tilespmem:s3], [sflag:$0x3] =	stream.linear.gather [hbm4b:s5+s3], $0x200, $0x38;
	[tilespmem:$0x4400] =	vst v63  }
0x8: {  	_ =	swait.ge [sflag:s4], $0x200  }
0x9: {  	s7 =	simm.s32 $0x80;
	[sflag:s4] =	ssyncset.done $0x0  }
0xa: {  	s8 =	simm.s32 $0x200;
	s6 =	sadd.s32 $0xF43E00, s21;
	[sflag:s4] =	ssyncadd.s32 $0xFFFFFE00  }
0xb: {  	[tilespmem:s8], [sflag:$0x1] =	stream.indirect.gather [hbm4b:s6+s7], $0x20, s3, s7, $0xb8;
	[tilespmem:$0x4400] =	vst v63  }
0xc: {  	s9 =	simm.s32 $0x4200  }
0xd: {  	[tilespmem:s9], [sflag:$0x2] =	stream.indirect.gather [hbm4b:s2+s7], $0x1, s3, s7, $0xb8;
	[tilespmem:$0x4400] =	vst v63  }
0xe: {  	s10 =	simm.s32 $0x1200  }
0xf: {  	[tilespmem:s10], [sflag:$0x1] =	stream.indirect.gather [hbm4b:s6+s7], $0x20, s7, s7, $0xb8;
	[tilespmem:$0x4400] =	vst v63  }
0x10: {  	s11 =	simm.s32 $0x4280  }
0x11: {  	[tilespmem:s11], [sflag:$0x2] =	stream.indirect.gather [hbm4b:s2+s7], $0x1, s7, s7, $0xb8;
	[tilespmem:$0x4400] =	vst v63  }
0x12: {  	s12 =	simm.s32 $0x100;
	s13 =	simm.s32 $0x2200  }
0x13: {  	[tilespmem:s13], [sflag:$0x1] =	stream.indirect.gather [hbm4b:s6+s7], $0x20, s12, s7, $0xb8;
	[tilespmem:$0x4400] =	vst v63  }
0x14: {  	s14 =	simm.s32 $0x4300  }
0x15: {  	[tilespmem:s14], [sflag:$0x2] =	stream.indirect.gather [hbm4b:s2+s7], $0x1, s12, s7, $0xb8;
	[tilespmem:$0x4400] =	vst v63  }
0x16: {  	s15 =	simm.s32 $0x180;
	s16 =	simm.s32 $0x3200  }
0x17: {  	[tilespmem:s16], [sflag:$0x1] =	stream.indirect.gather [hbm4b:s6+s7], $0x20, s15, s7, $0xb8;
	[tilespmem:$0x4400] =	vst v63  }
0x18: {  	s17 =	simm.s32 $0x4380;
	s18 =	simm.s32 $0x1  }
0x19: {  	[tilespmem:s17], [sflag:$0x2] =	stream.indirect.gather [hbm4b:s2+s7], $0x1, s15, s7, $0xb8;
	[tilespmem:$0x4400] =	vst v63  }
0x1a: {  	_ =	swait.ge [sflag:s18], $0x1000  }
0x1b: {  	[sflag:s18] =	ssyncset.done $0x0  }
0x1c: {  	s19 =	simm.s32 $0x2;
	[sflag:s18] =	ssyncadd.s32 $0xFFFFF000  }
0x1d: {  	_ =	swait.ge [sflag:s19], $0x80  }
0x1e: {  	[sflag:s19] =	ssyncset.done $0x0  }
0x1f: {  	[sflag:s19] =	ssyncadd.s32 $0xFFFFFF80  }
0x20: {  	_ =	swait.ge [sflag:s18], $0x1000  }
0x21: {  	[sflag:s18] =	ssyncset.done $0x0  }
0x22: {  	[sflag:s18] =	ssyncadd.s32 $0xFFFFF000  }
0x23: {  	_ =	swait.ge [sflag:s19], $0x80  }
0x24: {  	[sflag:s19] =	ssyncset.done $0x0  }
0x25: {  	[sflag:s19] =	ssyncadd.s32 $0xFFFFFF80  }
0x26: {  	_ =	swait.ge [sflag:s18], $0x1000  }
0x27: {  	[sflag:s18] =	ssyncset.done $0x0  }
0x28: {  	[sflag:s18] =	ssyncadd.s32 $0xFFFFF000  }
0x29: {  	_ =	swait.ge [sflag:s19], $0x80  }
0x2a: {  	[sflag:s19] =	ssyncset.done $0x0  }
0x2b: {  	[sflag:s19] =	ssyncadd.s32 $0xFFFFFF80  }
0x2c: {  	_ =	swait.ge [sflag:s18], $0x1000  }
0x2d: {  	[sflag:s18] =	ssyncset.done $0x0  }
0x2e: {  	s24 =	ssub.s32 $0x2, s20;
	s22 =	sshll.u32 s22, $0x2;
	[sflag:s18] =	ssyncadd.s32 $0xFFFFF000  }
0x2f: {  	s31 =	sshrl.u32 s24, $0x1;
	s22 =	sadd.s32 s22, s21;
	_ =	swait.ge [sflag:s19], $0x80  }
0x30: {  	s20 =	sadd.s32 $0x1A00, s22;
	s22 =	ssub.s32 s24, s31;
	[sflag:s19] =	ssyncset.done $0x0  }
0x31: {  	s22 =	smax.u32 s22, $0x1;
	[sflag:s19] =	ssyncadd.s32 $0xFFFFFF80  }
0x32: {  	[hbm4b:s20+s3] =	stream.linear.scatter [tilespmem:s8], [sflag:$0x3], $0x4000, $0x38;
	[tilespmem:$0x4400] =	vst v63  }
0x33: {  	p0 =	sne.s32 s22, $0x1;
	_ =	swait.ge [sflag:s4], $0x4000  }
.Ltmp0:
0x34: {  	s21 =	sadd.s32 s23, s21;
	[sflag:s4] =	ssyncset.done $0x0;
	(pc) =	sbr.rel @!p0 .LBB2_2-.Ltmp0, $4  }
0x35: {  	s21 =	sadd.s32 $0x11A00, s21;
	[sflag:s4] =	ssyncadd.s32 $0xFFFFC000  }
0x36: {  	[hbm4b:s21+s3] =	stream.linear.scatter [tilespmem:s9], [sflag:$0x3], $0x200, $0x38;
	[tilespmem:$0x4400] =	vst v63  }
0x37: {  	_ =	swait.ge [sflag:s4], $0x200  }
0x38: {  	s22 =	sadd.s32 $0xFFFFFFFF, s22;
	[sflag:s4] =	ssyncset.done $0x0  }
.LBB2_1:
0x39: {  	p0 =	sne.s32 s22, $0x1;
	s22 =	sadd.s32 $0xFFFFFFFF, s22;
	[sflag:s4] =	ssyncadd.s32 $0xFFFFFE00  }
0x3a: {  	[tilespmem:s3], [sflag:$0x3] =	stream.linear.gather [hbm4b:s5+s3], $0x200, $0x38;
	[tilespmem:$0x4400] =	vst v63  }
0x3b: {  	_ =	swait.ge [sflag:s4], $0x200  }
0x3c: {  	[sflag:s4] =	ssyncset.done $0x0  }
0x3d: {  	[sflag:s4] =	ssyncadd.s32 $0xFFFFFE00  }
0x3e: {  	[tilespmem:s8], [sflag:$0x1] =	stream.indirect.gather [hbm4b:s6+s7], $0x20, s3, s7, $0xb8;
	[tilespmem:$0x4400] =	vst v63  }
0x3f: {  	_ = 	snop  }
0x40: {  	[tilespmem:s9], [sflag:$0x2] =	stream.indirect.gather [hbm4b:s2+s7], $0x1, s3, s7, $0xb8;
	[tilespmem:$0x4400] =	vst v63  }
0x41: {  	_ = 	snop  }
0x42: {  	[tilespmem:s10], [sflag:$0x1] =	stream.indirect.gather [hbm4b:s6+s7], $0x20, s7, s7, $0xb8;
	[tilespmem:$0x4400] =	vst v63  }
0x43: {  	_ = 	snop  }
0x44: {  	[tilespmem:s11], [sflag:$0x2] =	stream.indirect.gather [hbm4b:s2+s7], $0x1, s7, s7, $0xb8;
	[tilespmem:$0x4400] =	vst v63  }
0x45: {  	_ = 	snop  }
0x46: {  	[tilespmem:s13], [sflag:$0x1] =	stream.indirect.gather [hbm4b:s6+s7], $0x20, s12, s7, $0xb8;
	[tilespmem:$0x4400] =	vst v63  }
0x47: {  	_ = 	snop  }
0x48: {  	[tilespmem:s14], [sflag:$0x2] =	stream.indirect.gather [hbm4b:s2+s7], $0x1, s12, s7, $0xb8;
	[tilespmem:$0x4400] =	vst v63  }
0x49: {  	_ = 	snop  }
0x4a: {  	[tilespmem:s16], [sflag:$0x1] =	stream.indirect.gather [hbm4b:s6+s7], $0x20, s15, s7, $0xb8;
	[tilespmem:$0x4400] =	vst v63  }
0x4b: {  	_ = 	snop  }
0x4c: {  	[tilespmem:s17], [sflag:$0x2] =	stream.indirect.gather [hbm4b:s2+s7], $0x1, s15, s7, $0xb8;
	[tilespmem:$0x4400] =	vst v63  }
0x4d: {  	_ =	swait.ge [sflag:s18], $0x1000  }
0x4e: {  	[sflag:s18] =	ssyncset.done $0x0  }
0x4f: {  	[sflag:s18] =	ssyncadd.s32 $0xFFFFF000  }
0x50: {  	_ =	swait.ge [sflag:s19], $0x80  }
0x51: {  	[sflag:s19] =	ssyncset.done $0x0  }
0x52: {  	[sflag:s19] =	ssyncadd.s32 $0xFFFFFF80  }
0x53: {  	_ =	swait.ge [sflag:s18], $0x1000  }
0x54: {  	[sflag:s18] =	ssyncset.done $0x0  }
0x55: {  	[sflag:s18] =	ssyncadd.s32 $0xFFFFF000  }
0x56: {  	_ =	swait.ge [sflag:s19], $0x80  }
0x57: {  	[sflag:s19] =	ssyncset.done $0x0  }
0x58: {  	[sflag:s19] =	ssyncadd.s32 $0xFFFFFF80  }
0x59: {  	_ =	swait.ge [sflag:s18], $0x1000  }
0x5a: {  	[sflag:s18] =	ssyncset.done $0x0  }
0x5b: {  	[sflag:s18] =	ssyncadd.s32 $0xFFFFF000  }
0x5c: {  	_ =	swait.ge [sflag:s19], $0x80  }
0x5d: {  	[sflag:s19] =	ssyncset.done $0x0  }
0x5e: {  	[sflag:s19] =	ssyncadd.s32 $0xFFFFFF80  }
0x5f: {  	_ =	swait.ge [sflag:s18], $0x1000  }
0x60: {  	[sflag:s18] =	ssyncset.done $0x0  }
0x61: {  	[sflag:s18] =	ssyncadd.s32 $0xFFFFF000  }
0x62: {  	_ =	swait.ge [sflag:s19], $0x80  }
0x63: {  	[sflag:s19] =	ssyncset.done $0x0  }
0x64: {  	[sflag:s19] =	ssyncadd.s32 $0xFFFFFF80  }
0x65: {  	[hbm4b:s20+s3] =	stream.linear.scatter [tilespmem:s8], [sflag:$0x3], $0x4000, $0x38;
	[tilespmem:$0x4400] =	vst v63  }
0x66: {  	_ =	swait.ge [sflag:s4], $0x4000  }
.Ltmp1:
0x67: {  	[sflag:s4] =	ssyncset.done $0x0;
	(pc) =	sbr.rel @p0 .LBB2_1-.Ltmp1, $4  }
0x68: {  	[sflag:s4] =	ssyncadd.s32 $0xFFFFC000  }
0x69: {  	[hbm4b:s21+s3] =	stream.linear.scatter [tilespmem:s9], [sflag:$0x3], $0x200, $0x38;
	[tilespmem:$0x4400] =	vst v63  }
0x6a: {  	_ =	swait.ge [sflag:s4], $0x200  }
0x6b: {  	[sflag:s4] =	ssyncset.done $0x0  }
.LBB2_2:
0x6c: {  	[sflag:s4] =	ssyncadd.s32 $0xFFFFFE00  }
0x6d: {  	_ =	sfence.sel $0x180000  }
0x6e: {  	[bflag:$0x0] =	sbarrier.arrive $0xFFFF  }
0x6f: {  	p0 =	sne.s32 s0, $0x0;
	_ =	strace $0x90000047  }
0x70: {  	s0 =	sadd.s32 @!p0 $0x100000, s1;
	[bflag:$0x2] =	sbarrier.arrive $0xFFFF  }
0x71: {  	[sflag:s0] =	ssyncadd.tile.s32 @!p0 $0x1;
	_ =	shalt  }
.Lfunc_end2:
_tile_overlayer_lowered:
.L_overlay_start_2:
0x72: {  	(tag) =	ssettag $0x2  }
0x73: {  	s0 =	rddreg [dreg:$0x0];
	s2 =	stileid.u32  }
0x74: {  	s1 =	rddreg [dreg:$0x1];
	p0 =	sne.s32 s2, $0x0  }
0x75: {  	s3 =	rddreg [dreg:$0x2];
	[bflag:$0x3] =	sbarrier.arrive $0xFFFF;
	s2 =	simm.s32 @!p0 $0x1C03  }
0x76: {  	[timem:s3], [sflag:s2] =	dma.local @!p0 [hbm:s0], s1  }
0x77: {  	s0 =	simm.s32 @!p0 $0x3  }
0x78: {  	_ =	swait.ge @!p0 [sflag:s0], s1  }
0x79: {  	s1 =	ssub.s32 @!p0 $0x0, s1;
	[sflag:s0] =	ssyncset.done @!p0 $0x0  }
0x7a: {  	[sflag:s0] =	ssyncadd.s32 @!p0 s1  }
0x7b: {  	[bflag:$0x3] =	sbarrier.arrive $0xFFFF  }
0x7c: {  	_ =	shalt  }

// kernel: kernel.8.cloned.1.call-start
scs
__scs_entry_jumppad:
0x0: {  	(pc) =	sbr.rel $0x88, $3  }
0x1: {  	(tag) =	ssettag $0x0;
	lr =	simm.s32 $0x1  }
0x2: {  	[smem:$0x3F97] =	sst lr;
	_ =	strace $0xD0000000  }
0x3: {  	_ = 	snop  }
0x4: {  	_ = 	snop  }
0x5: {  	_ = 	snop  }
0x6: {  	_ = 	snop  }
0x7: {  	_ = 	snop  }
__scs_overlays_trampoline_lowered:
0x8: {  	[smem:$0x3FA6] =	sst s0  }
0x9: {  	[smem:$0x3FA7] =	sst s1  }
0xa: {  	[smem:$0x3FA8] =	sst s2  }
0xb: {  	[smem:$0x3FA9] =	sst s3  }
0xc: {  	[smem:$0x3FAA] =	sst s4  }
0xd: {  	[smem:$0x3FAB] =	sst s5  }
0xe: {  	[smem:$0x3FAC] =	sst s6  }
0xf: {  	[smem:$0x3FAD] =	sst s7  }
0x10: {  	[smem:$0x3FAE] =	sst s8  }
0x11: {  	[smem:$0x3FAF] =	sst s9;
	s0 =	simm.s32 @!p0 $0x0  }
0x12: {  	s1 =	sld [smem:$0x3F95];
	s0 =	simm.s32 @p0 $0x1  }
0x13: {  	[smem:$0x3FB0] =	sst s0;
	s0 =	simm.s32 @!p1 $0x0  }
0x14: {  	s2 =	sld [smem:$0x3F94];
	s0 =	simm.s32 @p1 $0x1  }
0x15: {  	[smem:$0x3FB1] =	sst s0;
	s0 =	simm.s32 @!p2 $0x0  }
0x16: {  	s3 =	sld [smem:$0x3FDB];
	s0 =	simm.s32 @p2 $0x1  }
0x17: {  	s4 =	simm.s32 $0x1BF5;
	[smem:$0x3FB3] =	sst s0  }
0x18: {  	s0 =	sld [smem:$0x3F96];
	_ =	swait.ge [sflag:s4], $0x0  }
0x19: {  	s7 =	sld [smem:$0x3F97]  }
0x1a: {  	s8 =	sadd.s32 $0xFFFFE003, lr  }
0x1b: {  	s9 =	sadd.s32 $0xFFFFFEF7, lr;
	s5 =	simm.s32 $0xFFFFFFFF;
	p2 =	slt.u32 s8, $0xFFFFF086  }
0x1c: {  	p1 =	slt.u32 s9, $0xF7A;
	s5 =	simm.s32 @!p2 $0x0  }
0x1d: {  	s5 =	simm.s32 @p1 $0x1;
	p0 =	seq.s32 s7, s2  }
0x1e: {  	s7 =	smul.u32 @!p0 $0xF7A, s2;
	p2 =	seq.s32 @!p0 s5, $0x0  }
0x1f: {  	s9 =	smul.u32 $0xF7A, s1;
	s8 =	simm.s32 @!p0 $0x1BF5;
	p2 =	por !p2, p0  }
0x20: {  	[sflag:s8] =	ssyncset.s32 @!p0 $0xFFFFF086;
	s6 =	sadd.s32 @!p0 s3, s7;
	s7 =	simm.s32 @!p0 $0x108  }
0x21: {  	s3 =	sadd.s32 s3, s9;
	s6 =	sadd.s32 @!p0 $0x88, s6;
	s7 =	simm.s32 @p2 $0x1082  }
0x22: {  	[simem:s7], [sflag:s8] =	dma.local @!p0 [hbm:s6], $0xF7A  }
0x23: {  	s9 =	sor.u32 $0xD0000000, s2;
	s6 =	simm.s32 $0x108;
	_ =	swait.ge @!p0 [sflag:s8], $0x0  }
0x24: {  	s3 =	sadd.s32 $0x88, s3;
	s6 =	simm.s32 @!p1 $0x1082;
	[sflag:s4] =	ssyncset.s32 $0xFFFFF086  }
0x25: {  	[simem:s6], [sflag:s4] =	dma.local [hbm:s3], $0xF7A  }
0x26: {  	[smem:$0x3F97] =	sst s1;
	(tag) =	ssettag s2;
	_ =	strace s9  }
0x27: {  	s1 =	sld [smem:$0x3FA7]  }
0x28: {  	s2 =	sld [smem:$0x3FA8]  }
0x29: {  	s4 =	sld [smem:$0x3FAA]  }
0x2a: {  	p0 =	seq.s32 s5, $0x0;
	s5 =	sld [smem:$0x3FAB]  }
0x2b: {  	s6 =	sld [smem:$0x3FAC]  }
0x2c: {  	s7 =	sld [smem:$0x3FAD]  }
0x2d: {  	s3 =	simm.s32 $0x108;
	s8 =	sld [smem:$0x3FAE]  }
0x2e: {  	s3 =	simm.s32 @!p0 $0x1082;
	s9 =	sld [smem:$0x3FAF]  }
0x2f: {  	lr =	sadd.s32 s0, s3;
	s0 =	sld [smem:$0x3FA6]  }
0x30: {  	s3 =	sld [smem:$0x3FA9]  }
0x31: {  	[smem:$0x3FB2] =	sst s10  }
0x32: {  	s10 =	sld [smem:$0x3FB0];
	_ =	sdelay $0x3  }
0x33: {  	p0 =	seq.s32 s10, $0x1;
	s10 =	sld [smem:$0x3FB2];
	_ =	sdelay $0x3  }
0x34: {  	[smem:$0x3FB2] =	sst s10  }
0x35: {  	s10 =	sld [smem:$0x3FB1];
	_ =	sdelay $0x3  }
0x36: {  	p1 =	seq.s32 s10, $0x1;
	s10 =	sld [smem:$0x3FB2];
	_ =	sdelay $0x3  }
0x37: {  	[smem:$0x3FB2] =	sst s10  }
0x38: {  	s10 =	sld [smem:$0x3FB3]  }
0x39: {  	_ = 	snop;
	(pc) =	sbr.ind lr, $3  }
0x3a: {  	_ = 	snop  }
0x3b: {  	_ = 	snop  }
0x3c: {  	p2 =	seq.s32 s10, $0x1;
	s10 =	sld [smem:$0x3FB2]  }
0x3d: {  	_ =	shalt  }
0x3e: {  	_ =	shalt  }
0x3f: {  	_ =	shalt  }
0x40: {  	_ =	shalt  }
0x41: {  	_ =	shalt  }
0x42: {  	_ =	shalt  }
0x43: {  	_ =	shalt  }
0x44: {  	_ =	shalt  }
0x45: {  	_ =	shalt  }
0x46: {  	_ =	shalt  }
0x47: {  	_ =	shalt  }
0x48: {  	_ =	shalt  }
0x49: {  	_ =	shalt  }
0x4a: {  	_ =	shalt  }
0x4b: {  	_ =	shalt  }
0x4c: {  	_ =	shalt  }
0x4d: {  	_ =	shalt  }
0x4e: {  	_ =	shalt  }
0x4f: {  	_ =	shalt  }
0x50: {  	_ =	shalt  }
0x51: {  	_ =	shalt  }
0x52: {  	_ =	shalt  }
0x53: {  	_ =	shalt  }
0x54: {  	_ =	shalt  }
0x55: {  	_ =	shalt  }
0x56: {  	_ =	shalt  }
0x57: {  	_ =	shalt  }
0x58: {  	_ =	shalt  }
0x59: {  	_ =	shalt  }
0x5a: {  	_ =	shalt  }
0x5b: {  	_ =	shalt  }
0x5c: {  	_ =	shalt  }
0x5d: {  	_ =	shalt  }
0x5e: {  	_ =	shalt  }
0x5f: {  	_ =	shalt  }
0x60: {  	_ =	shalt  }
0x61: {  	_ =	shalt  }
0x62: {  	_ =	shalt  }
0x63: {  	_ =	shalt  }
0x64: {  	_ =	shalt  }
0x65: {  	_ =	shalt  }
0x66: {  	_ =	shalt  }
0x67: {  	_ =	shalt  }
0x68: {  	_ =	shalt  }
0x69: {  	_ =	shalt  }
0x6a: {  	_ =	shalt  }
0x6b: {  	_ =	shalt  }
0x6c: {  	_ =	shalt  }
0x6d: {  	_ =	shalt  }
0x6e: {  	_ =	shalt  }
0x6f: {  	_ =	shalt  }
0x70: {  	_ =	shalt  }
0x71: {  	_ =	shalt  }
0x72: {  	_ =	shalt  }
0x73: {  	_ =	shalt  }
0x74: {  	_ =	shalt  }
0x75: {  	_ =	shalt  }
0x76: {  	_ =	shalt  }
0x77: {  	_ =	shalt  }
0x78: {  	_ =	shalt  }
0x79: {  	_ =	shalt  }
0x7a: {  	_ =	shalt  }
0x7b: {  	_ =	shalt  }
0x7c: {  	_ =	shalt  }
0x7d: {  	_ =	shalt  }
0x7e: {  	_ =	shalt  }
0x7f: {  	_ =	shalt  }
0x80: {  	_ =	shalt  }
0x81: {  	_ =	shalt  }
0x82: {  	_ =	shalt  }
0x83: {  	_ =	shalt  }
0x84: {  	_ =	shalt  }
0x85: {  	_ =	shalt  }
0x86: {  	_ =	shalt  }
0x87: {  	_ =	shalt  }
.Lfunc_end0:
.L_simem_size_0:
called_computation.1_lowered:
.L_overlay_start_0:
0x88: {  	s2 =	sld [smem:$0x3FD9]  }
0x89: {  	s3 =	sld [smem:$0x3FFE];
	_ =	sdelay $0x1  }
0x8a: {  	s1 =	srdreg.scid  }
0x8b: {  	s0 =	sand.u32 $0x1, s1  }
0x8c: {  	s17 =	sshll.u32 s0, $0xA;
	s2 =	sadd.s32 s3, s2  }
0x8d: {  	s2 =	sadd.s32 s2, s17  }
0x8e: {  	[smem:$0x3FBE] =	sst s2  }
0x8f: {  	_ = 	snop  }
0x90: {  	s4 =	sld [smem:$0x3FC8]  }
0x91: {  	s5 =	sld [smem:$0x3FC3]  }
0x92: {  	s18 =	sld [smem:$0x3FD0];
	(tm) =	ssettm $0x1  }
0x93: {  	s19 =	sld [smem:$0x3FFB];
	_ =	sdelay $0x3  }
0x94: {  	_ =	strace s19  }
0x95: {  	s2 =	sld [smem:$0x3FFC];
	_ =	sdelay $0x3  }
0x96: {  	_ =	strace s2  }
0x97: {  	s2 =	sld [smem:$0x3FFD];
	_ =	sdelay $0x3  }
0x98: {  	_ =	strace s2  }
0x99: {  	_ =	strace $0x8FFFFFFF  }
0x9a: {  	s20 =	sld [smem:$0x3FDB];
	_ =	sdelay $0x1  }
0x9b: {  	s6 =	simm.s32 $_scs_section_size  }
0x9c: {  	s7 =	simm.s32 $_size__tile_overlayer_lowered;
	s8 =	simm.s32 $_tile_overlayer_lowered  }
0x9d: {  	s9 =	simm.s32 $0x1BFF;
	s21 =	sshll.u32 s8, $0x1;
	s6 =	sadd.s32 s6, s20  }
0x9e: {  	s22 =	simm.s32 $0x0;
	s7 =	sshll.u32 s7, $0x1;
	s8 =	sadd.s32 s21, s6  }
0x9f: {  	[timem:s22], [sflag:s9] =	dma.local [hbm:s8], s7  }
0xa0: {  	_ =	swait.ge [sflag:s9], s7  }
0xa1: {  	s7 =	ssub.s32 $0x0, s7;
	[sflag:s9] =	ssyncset.done $0x0  }
0xa2: {  	[sflag:s9] =	ssyncadd.s32 s7;
	_ =	sdelay $0x1  }
0xa3: {  	s23 =	simm.s32 $0x1B8B  }
0xa4: {  	_ =	swait.ge [sflag:s23], $0x1  }
0xa5: {  	[sflag:s23] =	ssyncset.done $0x0  }
0xa6: {  	[sflag:s23] =	ssyncadd.s32 $0xFFFFFFFF  }
0xa7: {  	s7 =	sld [smem:$0x0]  }
0xa8: {  	s8 =	sand.u32 $0xFFFFFFFE, s1  }
0xa9: {  	p0 =	sne.s32 s1, s8  }
0xaa: {  	s8 =	sshll.u32 @p0 s8, $0xE  }
0xab: {  	s8 =	sadd.s32 @p0 $0x11B8D, s8;
	s9 =	sshll.u32 @p0 s7, $0x11  }
0xac: {  	s8 =	sor.u32 @p0 s9, s8  }
0xad: {  	[sflag:s8] =	ssyncadd.remote.s32 @p0 $0x1;
	_ =	sdelay $0x1  }
0xae: {  	s8 =	simm.s32 @p0 $0x1B8D  }
0xaf: {  	_ =	swait.eq @p0 [sflag:s8], $0x1  }
0xb0: {  	[sflag:s8] =	ssyncadd.s32 @p0 $0xFFFFFFFF  }
0xb1: {  	s9 =	sshll.u32 @!p0 s1, $0xE  }
0xb2: {  	s9 =	sor.u32 @!p0 $0x4000, s9;
	s8 =	simm.s32 @!p0 $0x1B8D  }
0xb3: {  	s7 =	sshll.u32 @!p0 s7, $0x11;
	s9 =	sadd.s32 @!p0 $0x11B8D, s9;
	_ =	swait.eq @!p0 [sflag:s8], $0x1  }
0xb4: {  	s7 =	sor.u32 @!p0 s7, s9;
	[sflag:s8] =	ssyncadd.s32 @!p0 $0xFFFFFFFF  }
0xb5: {  	s25 =	simm.s32 $0x1B8E;
	s24 =	sld [smem:$0x3FFE];
	[sflag:s7] =	ssyncadd.remote.s32 @!p0 $0x1  }
0xb6: {  	s26 =	simm.s32 $execute0_lowered;
	[smem:$0x3FD2] =	sst s25  }
0xb7: {  	s8 =	sshll.u32 s26, $0x1;
	_ =	strace $0x80000049;
	[dreg:$0x1] =	wrdreg $0xFFFFFFFF  }
0xb8: {  	s28 =	simm.s32 $_size_execute0_lowered;
	s6 =	sadd.s32 s6, s8;
	[dreg:$0x0] =	wrdreg $0x0  }
0xb9: {  	s8 =	sshll.u32 s28, $0x1;
	[dreg:$0x2] =	wrdreg s6  }
0xba: {  	[dreg:$0x3] =	wrdreg s8  }
0xbb: {  	[dreg:$0x4] =	wrdreg $0xC0  }
0xbc: {  	_ =	task [dreg:s22], $0x5FFFF  }
0xbd: {  	[dreg:$0x1] =	wrdreg $0xFFFFFFFF  }
0xbe: {  	[dreg:$0x0] =	wrdreg $0x60  }
0xbf: {  	[dreg:$0x2] =	wrdreg s4  }
0xc0: {  	[dreg:$0x3] =	wrdreg s5  }
0xc1: {  	[dreg:$0x4] =	wrdreg s24  }
0xc2: {  	[dreg:$0x5] =	wrdreg s18  }
0xc3: {  	[dreg:$0x6] =	wrdreg $0xA  }
0xc4: {  	_ =	task.clear_ibuf [dreg:s22], $0x7FFFF;
	_ =	strace $0x90000049  }
0xc5: {  	s29 =	simm.s32 $0xA;
	_ =	strace $0x8000004B  }
0xc6: {  	_ =	swait.ge [sflag:s29], $0x1  }
0xc7: {  	[sflag:s29] =	ssyncadd.s32 $0xFFFFFFFF  }
0xc8: {  	_ =	strace $0x9000004B  }
0xc9: {  	_ =	sfence  }
0xca: {  	s30 =	sld [smem:$0x0];
	_ =	sdelay $0x2  }
0xcb: {  	s31 =	sshll.u32 s1, $0xD;
	s1 =	sshrl.u32 s1, $0x2  }
0xcc: {  	s4 =	sand.u32 $0x4000, s31;
	s1 =	sadd.s32 s1, s30  }
0xcd: {  	s0 =	sor.u32 s4, s0;
	s1 =	sshll.u32 s1, $0x11  }
0xce: {  	s0 =	sor.u32 s1, s0  }
0xcf: {  	s0 =	sadd.s32 $0x8F2B, s0  }
0xd0: {  	[sflag:s0] =	ssyncadd.remote.s32 $0x1  }
0xd1: {  	_ =	sfence.sel $0xFFFF  }
0xd2: {  	[dreg:$0x0] =	wrdreg $0xFFFFFFFF;
	(pc) =	sbr.abs _section_cstart, $3  }
0xd3: {  	[dreg:$0x1] =	wrdreg $0xFFFFFFFF  }
0xd4: {  	_ =	task.clear_ibuf [dreg:s22], $0x2FFFF;
	_ =	strace $0x9FFFFFFF  }
0xd5: {  	(tm) =	ssettm $0x7FFFFFFF  }
tec
execute0_lowered:
.L_overlay_start_1:
0x0: {  	(tag) =	ssettag $0x1  }
0x1: {  	s4 =	rddreg [dreg:$0x0]  }
0x2: {  	s1 =	rddreg [dreg:$0x1];
	s2 =	srdreg.scid  }
0x3: {  	s20 =	rddreg [dreg:$0x2];
	s0 =	stileid.u32;
	s22 =	sand.u32 $0x1, s2  }
0x4: {  	s21 =	rddreg [dreg:$0x3];
	s5 =	sshll.u32 s0, $0xA;
	s6 =	sshll.u32 s22, $0x9  }
0x5: {  	s3 =	simm.s32 $0x0;
	s2 =	rddreg [dreg:$0x4];
	s24 =	sor.u32 s6, s5  }
0x6: {  	[smem:$0x7FF] =	sst s3;
	s23 =	sshrl.u32 s24, $0x3  }
0x7: {  	_ =	strace $0x8000004A;
	s5 =	sadd.s32 s4, s23;
	s4 =	simm.s32 $0x3  }
0x8: {  	[tilespmem:s3], [sflag:$0x3] =	stream.linear.gather [hbm4b:s5+s3], $0x200, $0x38;
	[tilespmem:$0x4400] =	vst v63  }
0x9: {  	_ =	swait.ge [sflag:s4], $0x200  }
0xa: {  	s7 =	simm.s32 $0x80;
	[sflag:s4] =	ssyncset.done $0x0  }
0xb: {  	s8 =	simm.s32 $0x200;
	s6 =	sadd.s32 $0x12200, s20;
	[sflag:s4] =	ssyncadd.s32 $0xFFFFFE00  }
0xc: {  	[tilespmem:s8], [sflag:$0x1] =	stream.indirect.gather [hbm4b:s6+s7], $0x20, s3, s7, $0xb8;
	[tilespmem:$0x4400] =	vst v63  }
0xd: {  	s9 =	simm.s32 $0x4200  }
0xe: {  	[tilespmem:s9], [sflag:$0x2] =	stream.indirect.gather [hbm4b:s1+s7], $0x1, s3, s7, $0xb8;
	[tilespmem:$0x4400] =	vst v63  }
0xf: {  	s10 =	simm.s32 $0x1200  }
0x10: {  	[tilespmem:s10], [sflag:$0x1] =	stream.indirect.gather [hbm4b:s6+s7], $0x20, s7, s7, $0xb8;
	[tilespmem:$0x4400] =	vst v63  }
0x11: {  	s11 =	simm.s32 $0x4280  }
0x12: {  	[tilespmem:s11], [sflag:$0x2] =	stream.indirect.gather [hbm4b:s1+s7], $0x1, s7, s7, $0xb8;
	[tilespmem:$0x4400] =	vst v63  }
0x13: {  	s12 =	simm.s32 $0x100;
	s13 =	simm.s32 $0x2200  }
0x14: {  	[tilespmem:s13], [sflag:$0x1] =	stream.indirect.gather [hbm4b:s6+s7], $0x20, s12, s7, $0xb8;
	[tilespmem:$0x4400] =	vst v63  }
0x15: {  	s14 =	simm.s32 $0x4300  }
0x16: {  	[tilespmem:s14], [sflag:$0x2] =	stream.indirect.gather [hbm4b:s1+s7], $0x1, s12, s7, $0xb8;
	[tilespmem:$0x4400] =	vst v63  }
0x17: {  	s15 =	simm.s32 $0x180;
	s16 =	simm.s32 $0x3200  }
0x18: {  	[tilespmem:s16], [sflag:$0x1] =	stream.indirect.gather [hbm4b:s6+s7], $0x20, s15, s7, $0xb8;
	[tilespmem:$0x4400] =	vst v63  }
0x19: {  	s17 =	simm.s32 $0x4380;
	s18 =	simm.s32 $0x1  }
0x1a: {  	[tilespmem:s17], [sflag:$0x2] =	stream.indirect.gather [hbm4b:s1+s7], $0x1, s15, s7, $0xb8;
	[tilespmem:$0x4400] =	vst v63  }
0x1b: {  	_ =	swait.ge [sflag:s18], $0x1000  }
0x1c: {  	[sflag:s18] =	ssyncset.done $0x0  }
0x1d: {  	s19 =	simm.s32 $0x2;
	[sflag:s18] =	ssyncadd.s32 $0xFFFFF000  }
0x1e: {  	_ =	swait.ge [sflag:s19], $0x80  }
0x1f: {  	[sflag:s19] =	ssyncset.done $0x0  }
0x20: {  	[sflag:s19] =	ssyncadd.s32 $0xFFFFFF80  }
0x21: {  	_ =	swait.ge [sflag:s18], $0x1000  }
0x22: {  	[sflag:s18] =	ssyncset.done $0x0  }
0x23: {  	[sflag:s18] =	ssyncadd.s32 $0xFFFFF000  }
0x24: {  	_ =	swait.ge [sflag:s19], $0x80  }
0x25: {  	[sflag:s19] =	ssyncset.done $0x0  }
0x26: {  	[sflag:s19] =	ssyncadd.s32 $0xFFFFFF80  }
0x27: {  	_ =	swait.ge [sflag:s18], $0x1000  }
0x28: {  	[sflag:s18] =	ssyncset.done $0x0  }
0x29: {  	[sflag:s18] =	ssyncadd.s32 $0xFFFFF000  }
0x2a: {  	_ =	swait.ge [sflag:s19], $0x80  }
0x2b: {  	[sflag:s19] =	ssyncset.done $0x0  }
0x2c: {  	[sflag:s19] =	ssyncadd.s32 $0xFFFFFF80  }
0x2d: {  	_ =	swait.ge [sflag:s18], $0x1000  }
0x2e: {  	[sflag:s18] =	ssyncset.done $0x0  }
0x2f: {  	s22 =	ssub.s32 $0x2, s22;
	[sflag:s18] =	ssyncadd.s32 $0xFFFFF000  }
0x30: {  	s31 =	sshrl.u32 s22, $0x1;
	s24 =	sshll.u32 s24, $0x2;
	_ =	swait.ge [sflag:s19], $0x80  }
0x31: {  	s22 =	ssub.s32 s22, s31;
	s20 =	sadd.s32 s24, s20;
	[sflag:s19] =	ssyncset.done $0x0  }
0x32: {  	s22 =	smax.u32 s22, $0x1;
	s20 =	sadd.s32 $0x3E2C00, s20;
	[sflag:s19] =	ssyncadd.s32 $0xFFFFFF80  }
0x33: {  	[hbm4b:s20+s3] =	stream.linear.scatter [tilespmem:s8], [sflag:$0x3], $0x4000, $0x38;
	[tilespmem:$0x4400] =	vst v63  }
0x34: {  	p0 =	sne.s32 s22, $0x1;
	_ =	swait.ge [sflag:s4], $0x4000  }
.Ltmp0:
0x35: {  	[sflag:s4] =	ssyncset.done $0x0;
	(pc) =	sbr.rel @!p0 .LBB2_2-.Ltmp0, $4  }
0x36: {  	s21 =	sadd.s32 s21, s23;
	[sflag:s4] =	ssyncadd.s32 $0xFFFFC000  }
0x37: {  	[hbm4b:s21+s3] =	stream.linear.scatter [tilespmem:s9], [sflag:$0x3], $0x200, $0x38;
	[tilespmem:$0x4400] =	vst v63  }
0x38: {  	_ =	swait.ge [sflag:s4], $0x200  }
0x39: {  	s22 =	sadd.s32 $0xFFFFFFFF, s22;
	[sflag:s4] =	ssyncset.done $0x0  }
.LBB2_1:
0x3a: {  	p0 =	sne.s32 s22, $0x1;
	s22 =	sadd.s32 $0xFFFFFFFF, s22;
	[sflag:s4] =	ssyncadd.s32 $0xFFFFFE00  }
0x3b: {  	[tilespmem:s3], [sflag:$0x3] =	stream.linear.gather [hbm4b:s5+s3], $0x200, $0x38;
	[tilespmem:$0x4400] =	vst v63  }
0x3c: {  	_ =	swait.ge [sflag:s4], $0x200  }
0x3d: {  	[sflag:s4] =	ssyncset.done $0x0  }
0x3e: {  	[sflag:s4] =	ssyncadd.s32 $0xFFFFFE00  }
0x3f: {  	[tilespmem:s8], [sflag:$0x1] =	stream.indirect.gather [hbm4b:s6+s7], $0x20, s3, s7, $0xb8;
	[tilespmem:$0x4400] =	vst v63  }
0x40: {  	_ = 	snop  }
0x41: {  	[tilespmem:s9], [sflag:$0x2] =	stream.indirect.gather [hbm4b:s1+s7], $0x1, s3, s7, $0xb8;
	[tilespmem:$0x4400] =	vst v63  }
0x42: {  	_ = 	snop  }
0x43: {  	[tilespmem:s10], [sflag:$0x1] =	stream.indirect.gather [hbm4b:s6+s7], $0x20, s7, s7, $0xb8;
	[tilespmem:$0x4400] =	vst v63  }
0x44: {  	_ = 	snop  }
0x45: {  	[tilespmem:s11], [sflag:$0x2] =	stream.indirect.gather [hbm4b:s1+s7], $0x1, s7, s7, $0xb8;
	[tilespmem:$0x4400] =	vst v63  }
0x46: {  	_ = 	snop  }
0x47: {  	[tilespmem:s13], [sflag:$0x1] =	stream.indirect.gather [hbm4b:s6+s7], $0x20, s12, s7, $0xb8;
	[tilespmem:$0x4400] =	vst v63  }
0x48: {  	_ = 	snop  }
0x49: {  	[tilespmem:s14], [sflag:$0x2] =	stream.indirect.gather [hbm4b:s1+s7], $0x1, s12, s7, $0xb8;
	[tilespmem:$0x4400] =	vst v63  }
0x4a: {  	_ = 	snop  }
0x4b: {  	[tilespmem:s16], [sflag:$0x1] =	stream.indirect.gather [hbm4b:s6+s7], $0x20, s15, s7, $0xb8;
	[tilespmem:$0x4400] =	vst v63  }
0x4c: {  	_ = 	snop  }
0x4d: {  	[tilespmem:s17], [sflag:$0x2] =	stream.indirect.gather [hbm4b:s1+s7], $0x1, s15, s7, $0xb8;
	[tilespmem:$0x4400] =	vst v63  }
0x4e: {  	_ =	swait.ge [sflag:s18], $0x1000  }
0x4f: {  	[sflag:s18] =	ssyncset.done $0x0  }
0x50: {  	[sflag:s18] =	ssyncadd.s32 $0xFFFFF000  }
0x51: {  	_ =	swait.ge [sflag:s19], $0x80  }
0x52: {  	[sflag:s19] =	ssyncset.done $0x0  }
0x53: {  	[sflag:s19] =	ssyncadd.s32 $0xFFFFFF80  }
0x54: {  	_ =	swait.ge [sflag:s18], $0x1000  }
0x55: {  	[sflag:s18] =	ssyncset.done $0x0  }
0x56: {  	[sflag:s18] =	ssyncadd.s32 $0xFFFFF000  }
0x57: {  	_ =	swait.ge [sflag:s19], $0x80  }
0x58: {  	[sflag:s19] =	ssyncset.done $0x0  }
0x59: {  	[sflag:s19] =	ssyncadd.s32 $0xFFFFFF80  }
0x5a: {  	_ =	swait.ge [sflag:s18], $0x1000  }
0x5b: {  	[sflag:s18] =	ssyncset.done $0x0  }
0x5c: {  	[sflag:s18] =	ssyncadd.s32 $0xFFFFF000  }
0x5d: {  	_ =	swait.ge [sflag:s19], $0x80  }
0x5e: {  	[sflag:s19] =	ssyncset.done $0x0  }
0x5f: {  	[sflag:s19] =	ssyncadd.s32 $0xFFFFFF80  }
0x60: {  	_ =	swait.ge [sflag:s18], $0x1000  }
0x61: {  	[sflag:s18] =	ssyncset.done $0x0  }
0x62: {  	[sflag:s18] =	ssyncadd.s32 $0xFFFFF000  }
0x63: {  	_ =	swait.ge [sflag:s19], $0x80  }
0x64: {  	[sflag:s19] =	ssyncset.done $0x0  }
0x65: {  	[sflag:s19] =	ssyncadd.s32 $0xFFFFFF80  }
0x66: {  	[hbm4b:s20+s3] =	stream.linear.scatter [tilespmem:s8], [sflag:$0x3], $0x4000, $0x38;
	[tilespmem:$0x4400] =	vst v63  }
0x67: {  	_ =	swait.ge [sflag:s4], $0x4000  }
.Ltmp1:
0x68: {  	[sflag:s4] =	ssyncset.done $0x0;
	(pc) =	sbr.rel @p0 .LBB2_1-.Ltmp1, $4  }
0x69: {  	[sflag:s4] =	ssyncadd.s32 $0xFFFFC000  }
0x6a: {  	[hbm4b:s21+s3] =	stream.linear.scatter [tilespmem:s9], [sflag:$0x3], $0x200, $0x38;
	[tilespmem:$0x4400] =	vst v63  }
0x6b: {  	_ =	swait.ge [sflag:s4], $0x200  }
0x6c: {  	[sflag:s4] =	ssyncset.done $0x0  }
.LBB2_2:
0x6d: {  	[sflag:s4] =	ssyncadd.s32 $0xFFFFFE00  }
0x6e: {  	_ =	sfence.sel $0x180000  }
0x6f: {  	[bflag:$0x0] =	sbarrier.arrive $0xFFFF  }
0x70: {  	p0 =	sne.s32 s0, $0x0;
	_ =	strace $0x9000004A  }
0x71: {  	s0 =	sadd.s32 @!p0 $0x100000, s2;
	[bflag:$0x2] =	sbarrier.arrive $0xFFFF  }
0x72: {  	[sflag:s0] =	ssyncadd.tile.s32 @!p0 $0x1;
	_ =	shalt  }
.Lfunc_end2:
_tile_overlayer_lowered:
.L_overlay_start_2:
0x73: {  	(tag) =	ssettag $0x2  }
0x74: {  	s0 =	rddreg [dreg:$0x0];
	s2 =	stileid.u32  }
0x75: {  	s1 =	rddreg [dreg:$0x1];
	p0 =	sne.s32 s2, $0x0  }
0x76: {  	s3 =	rddreg [dreg:$0x2];
	[bflag:$0x3] =	sbarrier.arrive $0xFFFF;
	s2 =	simm.s32 @!p0 $0x1C03  }
0x77: {  	[timem:s3], [sflag:s2] =	dma.local @!p0 [hbm:s0], s1  }
0x78: {  	s0 =	simm.s32 @!p0 $0x3  }
0x79: {  	_ =	swait.ge @!p0 [sflag:s0], s1  }
0x7a: {  	s1 =	ssub.s32 @!p0 $0x0, s1;
	[sflag:s0] =	ssyncset.done @!p0 $0x0  }
0x7b: {  	[sflag:s0] =	ssyncadd.s32 @!p0 s1  }
0x7c: {  	[bflag:$0x3] =	sbarrier.arrive $0xFFFF  }
0x7d: {  	_ =	shalt  }

</sc_bundles>
